<compile_context>
chip_gen: v7x
topology: tpu7x:2x2x1
jax: 0.10.2.dev20260603
libtpu: 0.0.44.dev20260713+nightly
codegen_flags: <defaults>
</compile_context>

<pallas_src>
import functools

import jax
import jax.numpy as jnp
from jax import lax
from jax.experimental import pallas as pl
from jax.experimental.pallas import tpu as pltpu

_K = 20
_KS = 16
_ROWS = 256


def _round_bf16(v):
    u = lax.bitcast_convert_type(v, jnp.int32)
    lsb = jnp.bitwise_and(lax.shift_right_logical(u, 16), 1)
    r = jnp.bitwise_and(u + 0x7FFF + lsb, jnp.int32(-65536))
    return lax.bitcast_convert_type(r, jnp.float32)


def _pai_kernel(xt_row_ref, xt_all_ref, xlimb_ref, xxc_ref, xxl_ref,
                kern_ref, pad_ref, idx_ref, adj_ref, g_scr, work_scr):
    b = pl.program_id(0)
    xa = xt_all_ref[0]
    xlimb = xlimb_ref[0]
    xrq = xt_row_ref[0].astype(jnp.bfloat16)
    xaq = xa.astype(jnp.bfloat16)
    n = xa.shape[0]
    r = xrq.shape[0]
    f = xa.shape[1]

    inner = -2.0 * lax.dot_general(
        xrq, xaq, (((1,), (1,)), ((), ())),
        preferred_element_type=jnp.float32,
    )
    pd = (-xxl_ref[0] - inner) - xxc_ref[0]

    col = lax.broadcasted_iota(jnp.int32, pd.shape, 1)
    kcol = lax.broadcasted_iota(jnp.int32, (r, _K), 1)
    neg = jnp.float32(-jnp.inf)

    work_scr[...] = pd

    def topk_body(carry):
        j, idxm = carry
        work = work_scr[...]
        m = jnp.max(work, axis=1, keepdims=True)
        eq = work == m
        idxj = jnp.min(jnp.where(eq, col, n), axis=1, keepdims=True)
        onehot = col == idxj
        work_scr[...] = jnp.where(onehot, neg, work)
        idxm = jnp.where(kcol == j, idxj, idxm)
        oh_bf = jnp.where(onehot, 1.0, 0.0).astype(jnp.bfloat16)
        gj = lax.dot_general(
            oh_bf, xlimb, (((1,), (0,)), ((), ())),
            preferred_element_type=jnp.float32,
        )
        sj = (gj[:, :f] + gj[:, f:2 * f]) + gj[:, 2 * f:]
        g_scr[pl.ds(j, 1)] = sj[None]
        return j + 1, idxm

    idxm0 = jnp.zeros((r, _K), jnp.int32)
    _, idxm = lax.while_loop(lambda c: c[0] < _K, topk_body, (0, idxm0))
    idx_ref[0] = idxm + b * n

    kern_bf = kern_ref[...].astype(jnp.bfloat16)
    s0 = g_scr[0]
    w_list = []
    for j in range(_K):
        dsq = (g_scr[j] - s0).astype(jnp.bfloat16)
        aj = lax.dot_general(
            dsq, kern_bf, (((1,), (0,)), ((), ())),
            preferred_element_type=jnp.float32,
        ) + pad_ref[j]
        w_list.append(jnp.where(aj > 0, aj, 0.0))

    tot = functools.reduce(jnp.add, w_list) + 1e-06
    w_list = [w / tot for w in w_list]
    w_list = [w * w for w in w_list]
    tot2 = functools.reduce(jnp.add, w_list) + 1e-06
    for j in range(_K):
        wj = w_list[j] / tot2
        adj_ref[0, :, j, :] = jnp.where(wj > 0.1, wj, 0.0)


def kernel(x, kernals, one_padding):
    bsize, feats, n = x.shape
    xt = jnp.transpose(x, (0, 2, 1))
    xx = jnp.sum(x ** 2, axis=1)
    h = _round_bf16(xt)
    rm = xt - h
    m = _round_bf16(rm)
    l = rm - m
    xlimb = jnp.concatenate(
        [h.astype(jnp.bfloat16), m.astype(jnp.bfloat16),
         l.astype(jnp.bfloat16)], axis=2)
    idx, adj = pl.pallas_call(
        _pai_kernel,
        grid=(bsize, n // _ROWS),
        in_specs=[
            pl.BlockSpec((1, _ROWS, feats), lambda b, r: (b, r, 0)),
            pl.BlockSpec((1, n, feats), lambda b, r: (b, 0, 0)),
            pl.BlockSpec((1, n, 3 * feats), lambda b, r: (b, 0, 0)),
            pl.BlockSpec((1, _ROWS, 1), lambda b, r: (b, r, 0)),
            pl.BlockSpec((1, 1, n), lambda b, r: (b, 0, 0)),
            pl.BlockSpec((feats, _KS), lambda b, r: (0, 0)),
            pl.BlockSpec((_K, _KS), lambda b, r: (0, 0)),
        ],
        out_specs=(
            pl.BlockSpec((1, _ROWS, _K), lambda b, r: (b, r, 0)),
            pl.BlockSpec((1, _ROWS, _K, _KS), lambda b, r: (b, r, 0, 0)),
        ),
        out_shape=(
            jax.ShapeDtypeStruct((bsize, n, _K), jnp.int32),
            jax.ShapeDtypeStruct((bsize, n, _K, _KS), jnp.float32),
        ),
        scratch_shapes=[
            pltpu.VMEM((_K, _ROWS, feats), jnp.float32),
            pltpu.VMEM((_ROWS, n), jnp.float32),
        ],
    )(xt, xt, xlimb, xx[:, :, None], xx[:, None, :], kernals, one_padding)
    return idx.reshape(-1), adj.reshape(bsize * n, _K, _KS)

# --- scband reference (transcript-rebuilt; emitter-appended) ---
"""Pipeline reference for scband-pai-index-matrix-63763084476460 (READ-ONLY COPY).

The authoritative reference and input builder live on the scoring server;
editing this copy changes nothing except your own understanding.
"""

import jax, jax.numpy as jnp
import numpy as np

K_NEIGHBORS = 20
KERNEL_SIZE = 16


def knn(x, k):
    # x: [B, feats, N]
    inner = -2.0 * jnp.matmul(jnp.swapaxes(x, 2, 1), x)
    xx = jnp.sum(x ** 2, axis=1, keepdims=True)
    pairwise_distance = -xx - inner - jnp.swapaxes(xx, 2, 1)
    idx = jax.lax.top_k(pairwise_distance, k)[1]
    return idx


def setup_inputs(seed: int = 0) -> dict:
    key = jax.random.key(seed)
    k1, k2 = jax.random.split(key)
    x = jax.random.normal(k1, (16, 3, 2048), dtype=jnp.float32)
    # non-trainable parameters sized per __init__
    kernals = jax.random.uniform(k2, (3, KERNEL_SIZE), dtype=jnp.float32) - 0.5
    one_padding = jnp.zeros((K_NEIGHBORS, KERNEL_SIZE), dtype=jnp.float32).at[0, 0].set(1.0)
    return {"x": x, "kernals": kernals, "one_padding": one_padding}


def top_max(adjweight):
    adjweight = jnp.where(adjweight > 0, adjweight, jnp.zeros_like(adjweight))
    adjweight = adjweight / (jnp.sum(adjweight, axis=1, keepdims=True) + 1e-06)
    adjweight = adjweight * adjweight
    adjweight = adjweight / (jnp.sum(adjweight, axis=1, keepdims=True) + 1e-06)
    adjweight = jnp.where(adjweight > 0.1, adjweight, jnp.zeros_like(adjweight))
    return adjweight


def reference(x, kernals, one_padding):
    k = K_NEIGHBORS
    bsize, feats, num_pts = x.shape
    spirals_index = knn(x, k)  # [B, N, k]
    idx_base = jnp.arange(0, bsize).reshape(-1, 1, 1) * num_pts
    spirals_index = (spirals_index + idx_base).reshape(-1)
    spirals = jnp.transpose(x, (0, 2, 1)).reshape(bsize * num_pts, feats)
    spirals = spirals[spirals_index, :].reshape(bsize * num_pts, k, feats)
    adjweight = jnp.matmul(spirals - spirals[:, 0:1, :], kernals)
    adjweight = adjweight + one_padding
    adjweight = top_max(adjweight)
    return (spirals_index, adjweight)

if __name__ == "__main__":
    import jax
    _d = setup_inputs()
    print(jax.jit(kernel)(*tuple(_d.values())))

</pallas_src>

<mosaic_0001>
module attributes {stable_mosaic.version = 14 : i64} {
  func.func @_pai_kernel(%arg0: i32, %arg1: i32, %arg2: memref<1x256x3xf32, #tpu.memory_space<vmem>>, %arg3: memref<1x2048x3xf32, #tpu.memory_space<vmem>>, %arg4: memref<1x2048x9xbf16, #tpu.memory_space<vmem>>, %arg5: memref<1x256x1xf32, #tpu.memory_space<vmem>>, %arg6: memref<1x1x2048xf32, #tpu.memory_space<vmem>>, %arg7: memref<3x16xf32, #tpu.memory_space<vmem>>, %arg8: memref<20x16xf32, #tpu.memory_space<vmem>>, %arg9: memref<1x256x20xi32, #tpu.memory_space<vmem>>, %arg10: memref<1x256x20x16xf32, #tpu.memory_space<vmem>>, %arg11: memref<20x256x3xf32, #tpu.memory_space<vmem>>, %arg12: memref<256x2048xf32, #tpu.memory_space<vmem>>) attributes {dimension_semantics = [#tpu.dimension_semantics<arbitrary>, #tpu.dimension_semantics<arbitrary>], iteration_bounds = array<i64: 16, 8>, scalar_prefetch = 0 : i64, scratch_operands = 2 : i64, tpu.core_type = #tpu.core_type<tc>, window_params = [{transform_indices = @transform_0, window_bounds = array<i64: 1, 256, 3>}, {transform_indices = @transform_1, window_bounds = array<i64: 1, 2048, 3>}, {transform_indices = @transform_2, window_bounds = array<i64: 1, 2048, 9>}, {transform_indices = @transform_3, window_bounds = array<i64: 1, 256, 1>}, {transform_indices = @transform_4, window_bounds = array<i64: 1, 1, 2048>}, {pipeline_mode = #tpu.pipeline_mode<synchronous>, transform_indices = @transform_5, window_bounds = array<i64: 3, 16>}, {pipeline_mode = #tpu.pipeline_mode<synchronous>, transform_indices = @transform_6, window_bounds = array<i64: 20, 16>}, {transform_indices = @transform_7, window_bounds = array<i64: 1, 256, 20>}, {transform_indices = @transform_8, window_bounds = array<i64: 1, 256, 20, 16>}]} {
    %get3A = arith.constant 0 : index
    %get3A_0 = arith.constant 0 : index
    %get3A_1 = arith.constant 0 : index
    %get3A_2 = vector.load %arg3[%get3A, %get3A_0, %get3A_1] : memref<1x2048x3xf32, #tpu.memory_space<vmem>>, vector<1x2048x3xf32>
    %get3A_3 = vector.shape_cast %get3A_2 : vector<1x2048x3xf32> to vector<2048x3xf32>
    %get3A_4 = arith.constant 0 : index
    %get3A_5 = arith.constant 0 : index
    %get3A_6 = arith.constant 0 : index
    %get3A_7 = vector.load %arg4[%get3A_4, %get3A_5, %get3A_6] : memref<1x2048x9xbf16, #tpu.memory_space<vmem>>, vector<1x2048x9xbf16>
    %get3A_8 = vector.shape_cast %get3A_7 : vector<1x2048x9xbf16> to vector<2048x9xbf16>
    %get3A_9 = arith.constant 0 : index
    %get3A_10 = arith.constant 0 : index
    %get3A_11 = arith.constant 0 : index
    %get3A_12 = vector.load %arg2[%get3A_9, %get3A_10, %get3A_11] : memref<1x256x3xf32, #tpu.memory_space<vmem>>, vector<1x256x3xf32>
    %get3A_13 = vector.shape_cast %get3A_12 : vector<1x256x3xf32> to vector<256x3xf32>
    %convert_element_type3A = arith.truncf %get3A_13 : vector<256x3xf32> to vector<256x3xbf16>
    %convert_element_type3A_14 = arith.truncf %get3A_3 : vector<2048x3xf32> to vector<2048x3xbf16>
    %dot_general3A = arith.constant dense<0.000000e+00> : vector<256x2048xf32>
    %dot_general3A_15 = tpu.matmul %convert_element_type3A, %convert_element_type3A_14, %dot_general3A {dimension_numbers = #tpu.dot_dimension_numbers<[1], [1], [0], [0], [0, 0, 1, 0], [], []>, transpose_lhs_hint = false} : vector<256x3xbf16>, vector<2048x3xbf16>, vector<256x2048xf32> -> vector<256x2048xf32>
    %mul3A = arith.constant -2.000000e+00 : f32
    %mul3A_16 = vector.broadcast %mul3A : f32 to vector<256x2048xf32>
    %mul3A_17 = arith.mulf %mul3A_16, %dot_general3A_15 : vector<256x2048xf32>
    %get3A_18 = arith.constant 0 : index
    %get3A_19 = arith.constant 0 : index
    %get3A_20 = arith.constant 0 : index
    %get3A_21 = vector.load %arg6[%get3A_18, %get3A_19, %get3A_20] : memref<1x1x2048xf32, #tpu.memory_space<vmem>>, vector<1x1x2048xf32>
    %get3A_22 = vector.shape_cast %get3A_21 : vector<1x1x2048xf32> to vector<1x2048xf32>
    %neg3A = arith.constant 0.000000e+00 : f32
    %neg3A_23 = vector.broadcast %neg3A : f32 to vector<1x2048xf32>
    %neg3A_24 = arith.subf %neg3A_23, %get3A_22 : vector<1x2048xf32>
    %sub3A = vector.broadcast %neg3A_24 : vector<1x2048xf32> to vector<256x2048xf32>
    %sub3A_25 = arith.subf %sub3A, %mul3A_17 : vector<256x2048xf32>
    %get3A_26 = arith.constant 0 : index
    %get3A_27 = arith.constant 0 : index
    %get3A_28 = arith.constant 0 : index
    %get3A_29 = vector.load %arg5[%get3A_26, %get3A_27, %get3A_28] : memref<1x256x1xf32, #tpu.memory_space<vmem>>, vector<1x256x1xf32>
    %get3A_30 = vector.shape_cast %get3A_29 : vector<1x256x1xf32> to vector<256x1xf32>
    %sub3A_31 = vector.broadcast %get3A_30 : vector<256x1xf32> to vector<256x2048xf32>
    %sub3A_32 = arith.subf %sub3A_25, %sub3A_31 : vector<256x2048xf32>
    %iota3A = tpu.iota {dimensions = array<i32: 1>} : vector<256x2048xi32>
    %iota3A_33 = tpu.iota {dimensions = array<i32: 1>} : vector<256x20xi32>
    %swap3A = arith.constant 0 : index
    %swap3A_34 = arith.constant 0 : index
    %swap3A_35 = vector.load %arg12[%swap3A, %swap3A_34] : memref<256x2048xf32, #tpu.memory_space<vmem>>, vector<256x2048xf32>
    tpu.vector_store %arg12[%swap3A, %swap3A_34], %sub3A_32 {strides = array<i32>} : memref<256x2048xf32, #tpu.memory_space<vmem>>, vector<256x2048xf32>,
    %broadcast_in_dim3A = arith.constant 0 : i32
    %broadcast_in_dim3A_36 = vector.broadcast %broadcast_in_dim3A : i32 to vector<256x20xi32>
    %while3A = arith.constant 0xFF800000 : f32
    %while3A_37 = arith.constant 0 : i32
    %while3A_38:2 = scf.while (%while3A_857 = %while3A_37, %while3A_858 = %broadcast_in_dim3A_36) : (i32, vector<256x20xi32>) -> (i32, vector<256x20xi32>) {
      %lt3A = arith.constant 20 : i32
      %lt3A_859 = arith.cmpi slt, %while3A_857, %lt3A : i32
      scf.condition(%lt3A_859) %while3A_857, %while3A_858 : i32, vector<256x20xi32>
    } do {
    ^bb0(%while3A_857: i32, %while3A_858: vector<256x20xi32>):
      %get3A_859 = arith.constant 0 : index
      %get3A_860 = arith.constant 0 : index
      %get3A_861 = vector.load %arg12[%get3A_859, %get3A_860] : memref<256x2048xf32, #tpu.memory_space<vmem>>, vector<256x2048xf32>
      %reduce_max3A = arith.constant dense<0xFF800000> : vector<256xf32>
      %reduce_max3A_862 = vector.multi_reduction <maximumf>, %get3A_861, %reduce_max3A [1] : vector<256x2048xf32> to vector<256xf32>
      %broadcast_in_dim3A_863 = vector.shape_cast %reduce_max3A_862 : vector<256xf32> to vector<256x1xf32>
      %eq3A = vector.broadcast %broadcast_in_dim3A_863 : vector<256x1xf32> to vector<256x2048xf32>
      %eq3A_864 = arith.cmpf oeq, %get3A_861, %eq3A : vector<256x2048xf32>
      %jit3A_865 = arith.constant 2048 : i32
      %broadcast_in_dim3A_866 = vector.broadcast %jit3A_865 : i32 to vector<256x2048xi32>
      %select_n3A_867 = arith.select %eq3A_864, %iota3A, %broadcast_in_dim3A_866 : vector<256x2048xi1>, vector<256x2048xi32>
      %reduce_min3A = arith.constant dense<2147483647> : vector<256xi32>
      %reduce_min3A_868 = vector.multi_reduction <minsi>, %select_n3A_867, %reduce_min3A [1] : vector<256x2048xi32> to vector<256xi32>
      %broadcast_in_dim3A_869 = vector.shape_cast %reduce_min3A_868 : vector<256xi32> to vector<256x1xi32>
      %eq3A_870 = vector.broadcast %broadcast_in_dim3A_869 : vector<256x1xi32> to vector<256x2048xi32>
      %eq3A_871 = arith.cmpi eq, %iota3A, %eq3A_870 : vector<256x2048xi32>
      %broadcast_in_dim3A_872 = vector.broadcast %while3A : f32 to vector<256x2048xf32>
      %select_n3A_873 = arith.select %eq3A_871, %broadcast_in_dim3A_872, %get3A_861 : vector<256x2048xi1>, vector<256x2048xf32>
      %swap3A_874 = arith.constant 0 : index
      %swap3A_875 = arith.constant 0 : index
      %swap3A_876 = vector.load %arg12[%swap3A_874, %swap3A_875] : memref<256x2048xf32, #tpu.memory_space<vmem>>, vector<256x2048xf32>
      tpu.vector_store %arg12[%swap3A_874, %swap3A_875], %select_n3A_873 {strides = array<i32>} : memref<256x2048xf32, #tpu.memory_space<vmem>>, vector<256x2048xf32>,
      %eq3A_877 = vector.broadcast %while3A_857 : i32 to vector<256x20xi32>
      %eq3A_878 = arith.cmpi eq, %iota3A_33, %eq3A_877 : vector<256x20xi32>
      %broadcast_in_dim3A_879 = vector.shape_cast %broadcast_in_dim3A_869 : vector<256x1xi32> to vector<256x1xi32>
      %broadcast_in_dim3A_880 = vector.broadcast %broadcast_in_dim3A_879 : vector<256x1xi32> to vector<256x20xi32>
      %select_n3A_881 = arith.select %eq3A_878, %broadcast_in_dim3A_880, %while3A_858 : vector<256x20xi1>, vector<256x20xi32>
      %jit3A_882 = arith.constant 1.000000e+00 : f32
      %jit3A_883 = arith.constant 0.000000e+00 : f32
      %broadcast_in_dim3A_884 = vector.broadcast %jit3A_882 : f32 to vector<256x2048xf32>
      %broadcast_in_dim3A_885 = vector.broadcast %jit3A_883 : f32 to vector<256x2048xf32>
      %select_n3A_886 = arith.select %eq3A_871, %broadcast_in_dim3A_884, %broadcast_in_dim3A_885 : vector<256x2048xi1>, vector<256x2048xf32>
      %convert_element_type3A_887 = arith.truncf %select_n3A_886 : vector<256x2048xf32> to vector<256x2048xbf16>
      %dot_general3A_888 = arith.constant dense<0.000000e+00> : vector<256x9xf32>
      %dot_general3A_889 = tpu.matmul %convert_element_type3A_887, %get3A_8, %dot_general3A_888 {dimension_numbers = #tpu.dot_dimension_numbers<[1], [0], [0], [1], [0, 0, 1, 1], [], []>, transpose_lhs_hint = false} : vector<256x2048xbf16>, vector<2048x9xbf16>, vector<256x9xf32> -> vector<256x9xf32>
      %slice3A = vector.extract_strided_slice %dot_general3A_889 {offsets = [0, 0], sizes = [256, 3], strides = [1, 1]} : vector<256x9xf32> to vector<256x3xf32>
      %slice3A_890 = vector.extract_strided_slice %dot_general3A_889 {offsets = [0, 3], sizes = [256, 3], strides = [1, 1]} : vector<256x9xf32> to vector<256x3xf32>
      %add3A_891 = arith.addf %slice3A, %slice3A_890 : vector<256x3xf32>
      %slice3A_892 = vector.extract_strided_slice %dot_general3A_889 {offsets = [0, 6], sizes = [256, 3], strides = [1, 1]} : vector<256x9xf32> to vector<256x3xf32>
      %add3A_893 = arith.addf %add3A_891, %slice3A_892 : vector<256x3xf32>
      %broadcast_in_dim3A_894 = vector.shape_cast %add3A_893 : vector<256x3xf32> to vector<1x256x3xf32>
      %swap3A_895 = arith.index_cast %while3A_857 : i32 to index
      %swap3A_896 = arith.constant 0 : index
      %swap3A_897 = arith.constant 0 : index
      %swap3A_898 = vector.load %arg11[%swap3A_895, %swap3A_896, %swap3A_897] : memref<20x256x3xf32, #tpu.memory_space<vmem>>, vector<1x256x3xf32>
      tpu.vector_store %arg11[%swap3A_895, %swap3A_896, %swap3A_897], %broadcast_in_dim3A_894 {strides = array<i32>} : memref<20x256x3xf32, #tpu.memory_space<vmem>>, vector<1x256x3xf32>,
      %add3A_899 = arith.constant 1 : i32
      %add3A_900 = arith.addi %while3A_857, %add3A_899 : i32
      scf.yield %add3A_900, %select_n3A_881 : i32, vector<256x20xi32>
    }
    %mul3A_39 = arith.constant 2048 : i32
    %mul3A_40 = arith.muli %arg0, %mul3A_39 : i32
    %add3A = vector.broadcast %mul3A_40 : i32 to vector<256x20xi32>
    %add3A_41 = arith.addi %while3A_38#1, %add3A : vector<256x20xi32>
    %swap3A_42 = arith.constant 0 : index
    %swap3A_43 = arith.constant 0 : index
    %swap3A_44 = arith.constant 0 : index
    %swap3A_45 = vector.load %arg9[%swap3A_42, %swap3A_43, %swap3A_44] : memref<1x256x20xi32, #tpu.memory_space<vmem>>, vector<1x256x20xi32>
    %swap3A_46 = vector.shape_cast %swap3A_45 : vector<1x256x20xi32> to vector<256x20xi32>
    %swap3A_47 = vector.shape_cast %add3A_41 : vector<256x20xi32> to vector<1x256x20xi32>
    tpu.vector_store %arg9[%swap3A_42, %swap3A_43, %swap3A_44], %swap3A_47 {strides = array<i32>} : memref<1x256x20xi32, #tpu.memory_space<vmem>>, vector<1x256x20xi32>,
    %get3A_48 = arith.constant 0 : index
    %get3A_49 = arith.constant 0 : index
    %get3A_50 = vector.load %arg7[%get3A_48, %get3A_49] : memref<3x16xf32, #tpu.memory_space<vmem>>, vector<3x16xf32>
    %convert_element_type3A_51 = arith.truncf %get3A_50 : vector<3x16xf32> to vector<3x16xbf16>
    %get3A_52 = arith.constant 0 : index
    %get3A_53 = arith.constant 0 : index
    %get3A_54 = arith.constant 0 : index
    %get3A_55 = vector.load %arg11[%get3A_52, %get3A_53, %get3A_54] : memref<20x256x3xf32, #tpu.memory_space<vmem>>, vector<1x256x3xf32>
    %get3A_56 = vector.shape_cast %get3A_55 : vector<1x256x3xf32> to vector<256x3xf32>
    %get3A_57 = arith.constant 0 : index
    %get3A_58 = arith.constant 0 : index
    %get3A_59 = arith.constant 0 : index
    %get3A_60 = vector.load %arg11[%get3A_57, %get3A_58, %get3A_59] : memref<20x256x3xf32, #tpu.memory_space<vmem>>, vector<1x256x3xf32>
    %get3A_61 = vector.shape_cast %get3A_60 : vector<1x256x3xf32> to vector<256x3xf32>
    %sub3A_62 = arith.subf %get3A_61, %get3A_56 : vector<256x3xf32>
    %convert_element_type3A_63 = arith.truncf %sub3A_62 : vector<256x3xf32> to vector<256x3xbf16>
    %dot_general3A_64 = arith.constant dense<0.000000e+00> : vector<256x16xf32>
    %dot_general3A_65 = tpu.matmul %convert_element_type3A_63, %convert_element_type3A_51, %dot_general3A_64 {dimension_numbers = #tpu.dot_dimension_numbers<[1], [0], [0], [1], [0, 0, 1, 1], [], []>, transpose_lhs_hint = false} : vector<256x3xbf16>, vector<3x16xbf16>, vector<256x16xf32> -> vector<256x16xf32>
    %get3A_66 = arith.constant 0 : index
    %get3A_67 = arith.constant 0 : index
    %get3A_68 = vector.load %arg8[%get3A_66, %get3A_67] : memref<20x16xf32, #tpu.memory_space<vmem>>, vector<1x16xf32>
    %get3A_69 = vector.shape_cast %get3A_68 : vector<1x16xf32> to vector<16xf32>
    %broadcast_in_dim3A_70 = vector.shape_cast %get3A_69 : vector<16xf32> to vector<1x16xf32>
    %add3A_71 = vector.broadcast %broadcast_in_dim3A_70 : vector<1x16xf32> to vector<256x16xf32>
    %add3A_72 = arith.addf %dot_general3A_65, %add3A_71 : vector<256x16xf32>
    %gt3A = arith.constant 0.000000e+00 : f32
    %gt3A_73 = vector.broadcast %gt3A : f32 to vector<256x16xf32>
    %gt3A_74 = arith.cmpf ogt, %add3A_72, %gt3A_73 : vector<256x16xf32>
    %jit3A = arith.constant 0.000000e+00 : f32
    %broadcast_in_dim3A_75 = vector.broadcast %jit3A : f32 to vector<256x16xf32>
    %select_n3A = arith.select %gt3A_74, %add3A_72, %broadcast_in_dim3A_75 : vector<256x16xi1>, vector<256x16xf32>
    %get3A_76 = arith.constant 1 : index
    %get3A_77 = arith.constant 0 : index
    %get3A_78 = arith.constant 0 : index
    %get3A_79 = vector.load %arg11[%get3A_76, %get3A_77, %get3A_78] : memref<20x256x3xf32, #tpu.memory_space<vmem>>, vector<1x256x3xf32>
    %get3A_80 = vector.shape_cast %get3A_79 : vector<1x256x3xf32> to vector<256x3xf32>
    %sub3A_81 = arith.subf %get3A_80, %get3A_56 : vector<256x3xf32>
    %convert_element_type3A_82 = arith.truncf %sub3A_81 : vector<256x3xf32> to vector<256x3xbf16>
    %dot_general3A_83 = arith.constant dense<0.000000e+00> : vector<256x16xf32>
    %dot_general3A_84 = tpu.matmul %convert_element_type3A_82, %convert_element_type3A_51, %dot_general3A_83 {dimension_numbers = #tpu.dot_dimension_numbers<[1], [0], [0], [1], [0, 0, 1, 1], [], []>, transpose_lhs_hint = false} : vector<256x3xbf16>, vector<3x16xbf16>, vector<256x16xf32> -> vector<256x16xf32>
    %get3A_85 = arith.constant 1 : index
    %get3A_86 = arith.constant 0 : index
    %get3A_87 = vector.load %arg8[%get3A_85, %get3A_86] : memref<20x16xf32, #tpu.memory_space<vmem>>, vector<1x16xf32>
    %get3A_88 = vector.shape_cast %get3A_87 : vector<1x16xf32> to vector<16xf32>
    %broadcast_in_dim3A_89 = vector.shape_cast %get3A_88 : vector<16xf32> to vector<1x16xf32>
    %add3A_90 = vector.broadcast %broadcast_in_dim3A_89 : vector<1x16xf32> to vector<256x16xf32>
    %add3A_91 = arith.addf %dot_general3A_84, %add3A_90 : vector<256x16xf32>
    %gt3A_92 = arith.constant 0.000000e+00 : f32
    %gt3A_93 = vector.broadcast %gt3A_92 : f32 to vector<256x16xf32>
    %gt3A_94 = arith.cmpf ogt, %add3A_91, %gt3A_93 : vector<256x16xf32>
    %jit3A_95 = arith.constant 0.000000e+00 : f32
    %broadcast_in_dim3A_96 = vector.broadcast %jit3A_95 : f32 to vector<256x16xf32>
    %select_n3A_97 = arith.select %gt3A_94, %add3A_91, %broadcast_in_dim3A_96 : vector<256x16xi1>, vector<256x16xf32>
    %get3A_98 = arith.constant 2 : index
    %get3A_99 = arith.constant 0 : index
    %get3A_100 = arith.constant 0 : index
    %get3A_101 = vector.load %arg11[%get3A_98, %get3A_99, %get3A_100] : memref<20x256x3xf32, #tpu.memory_space<vmem>>, vector<1x256x3xf32>
    %get3A_102 = vector.shape_cast %get3A_101 : vector<1x256x3xf32> to vector<256x3xf32>
    %sub3A_103 = arith.subf %get3A_102, %get3A_56 : vector<256x3xf32>
    %convert_element_type3A_104 = arith.truncf %sub3A_103 : vector<256x3xf32> to vector<256x3xbf16>
    %dot_general3A_105 = arith.constant dense<0.000000e+00> : vector<256x16xf32>
    %dot_general3A_106 = tpu.matmul %convert_element_type3A_104, %convert_element_type3A_51, %dot_general3A_105 {dimension_numbers = #tpu.dot_dimension_numbers<[1], [0], [0], [1], [0, 0, 1, 1], [], []>, transpose_lhs_hint = false} : vector<256x3xbf16>, vector<3x16xbf16>, vector<256x16xf32> -> vector<256x16xf32>
    %get3A_107 = arith.constant 2 : index
    %get3A_108 = arith.constant 0 : index
    %get3A_109 = vector.load %arg8[%get3A_107, %get3A_108] : memref<20x16xf32, #tpu.memory_space<vmem>>, vector<1x16xf32>
    %get3A_110 = vector.shape_cast %get3A_109 : vector<1x16xf32> to vector<16xf32>
    %broadcast_in_dim3A_111 = vector.shape_cast %get3A_110 : vector<16xf32> to vector<1x16xf32>
    %add3A_112 = vector.broadcast %broadcast_in_dim3A_111 : vector<1x16xf32> to vector<256x16xf32>
    %add3A_113 = arith.addf %dot_general3A_106, %add3A_112 : vector<256x16xf32>
    %gt3A_114 = arith.constant 0.000000e+00 : f32
    %gt3A_115 = vector.broadcast %gt3A_114 : f32 to vector<256x16xf32>
    %gt3A_116 = arith.cmpf ogt, %add3A_113, %gt3A_115 : vector<256x16xf32>
    %jit3A_117 = arith.constant 0.000000e+00 : f32
    %broadcast_in_dim3A_118 = vector.broadcast %jit3A_117 : f32 to vector<256x16xf32>
    %select_n3A_119 = arith.select %gt3A_116, %add3A_113, %broadcast_in_dim3A_118 : vector<256x16xi1>, vector<256x16xf32>
    %get3A_120 = arith.constant 3 : index
    %get3A_121 = arith.constant 0 : index
    %get3A_122 = arith.constant 0 : index
    %get3A_123 = vector.load %arg11[%get3A_120, %get3A_121, %get3A_122] : memref<20x256x3xf32, #tpu.memory_space<vmem>>, vector<1x256x3xf32>
    %get3A_124 = vector.shape_cast %get3A_123 : vector<1x256x3xf32> to vector<256x3xf32>
    %sub3A_125 = arith.subf %get3A_124, %get3A_56 : vector<256x3xf32>
    %convert_element_type3A_126 = arith.truncf %sub3A_125 : vector<256x3xf32> to vector<256x3xbf16>
    %dot_general3A_127 = arith.constant dense<0.000000e+00> : vector<256x16xf32>
    %dot_general3A_128 = tpu.matmul %convert_element_type3A_126, %convert_element_type3A_51, %dot_general3A_127 {dimension_numbers = #tpu.dot_dimension_numbers<[1], [0], [0], [1], [0, 0, 1, 1], [], []>, transpose_lhs_hint = false} : vector<256x3xbf16>, vector<3x16xbf16>, vector<256x16xf32> -> vector<256x16xf32>
    %get3A_129 = arith.constant 3 : index
    %get3A_130 = arith.constant 0 : index
    %get3A_131 = vector.load %arg8[%get3A_129, %get3A_130] : memref<20x16xf32, #tpu.memory_space<vmem>>, vector<1x16xf32>
    %get3A_132 = vector.shape_cast %get3A_131 : vector<1x16xf32> to vector<16xf32>
    %broadcast_in_dim3A_133 = vector.shape_cast %get3A_132 : vector<16xf32> to vector<1x16xf32>
    %add3A_134 = vector.broadcast %broadcast_in_dim3A_133 : vector<1x16xf32> to vector<256x16xf32>
    %add3A_135 = arith.addf %dot_general3A_128, %add3A_134 : vector<256x16xf32>
    %gt3A_136 = arith.constant 0.000000e+00 : f32
    %gt3A_137 = vector.broadcast %gt3A_136 : f32 to vector<256x16xf32>
    %gt3A_138 = arith.cmpf ogt, %add3A_135, %gt3A_137 : vector<256x16xf32>
    %jit3A_139 = arith.constant 0.000000e+00 : f32
    %broadcast_in_dim3A_140 = vector.broadcast %jit3A_139 : f32 to vector<256x16xf32>
    %select_n3A_141 = arith.select %gt3A_138, %add3A_135, %broadcast_in_dim3A_140 : vector<256x16xi1>, vector<256x16xf32>
    %get3A_142 = arith.constant 4 : index
    %get3A_143 = arith.constant 0 : index
    %get3A_144 = arith.constant 0 : index
    %get3A_145 = vector.load %arg11[%get3A_142, %get3A_143, %get3A_144] : memref<20x256x3xf32, #tpu.memory_space<vmem>>, vector<1x256x3xf32>
    %get3A_146 = vector.shape_cast %get3A_145 : vector<1x256x3xf32> to vector<256x3xf32>
    %sub3A_147 = arith.subf %get3A_146, %get3A_56 : vector<256x3xf32>
    %convert_element_type3A_148 = arith.truncf %sub3A_147 : vector<256x3xf32> to vector<256x3xbf16>
    %dot_general3A_149 = arith.constant dense<0.000000e+00> : vector<256x16xf32>
    %dot_general3A_150 = tpu.matmul %convert_element_type3A_148, %convert_element_type3A_51, %dot_general3A_149 {dimension_numbers = #tpu.dot_dimension_numbers<[1], [0], [0], [1], [0, 0, 1, 1], [], []>, transpose_lhs_hint = false} : vector<256x3xbf16>, vector<3x16xbf16>, vector<256x16xf32> -> vector<256x16xf32>
    %get3A_151 = arith.constant 4 : index
    %get3A_152 = arith.constant 0 : index
    %get3A_153 = vector.load %arg8[%get3A_151, %get3A_152] : memref<20x16xf32, #tpu.memory_space<vmem>>, vector<1x16xf32>
    %get3A_154 = vector.shape_cast %get3A_153 : vector<1x16xf32> to vector<16xf32>
    %broadcast_in_dim3A_155 = vector.shape_cast %get3A_154 : vector<16xf32> to vector<1x16xf32>
    %add3A_156 = vector.broadcast %broadcast_in_dim3A_155 : vector<1x16xf32> to vector<256x16xf32>
    %add3A_157 = arith.addf %dot_general3A_150, %add3A_156 : vector<256x16xf32>
    %gt3A_158 = arith.constant 0.000000e+00 : f32
    %gt3A_159 = vector.broadcast %gt3A_158 : f32 to vector<256x16xf32>
    %gt3A_160 = arith.cmpf ogt, %add3A_157, %gt3A_159 : vector<256x16xf32>
    %jit3A_161 = arith.constant 0.000000e+00 : f32
    %broadcast_in_dim3A_162 = vector.broadcast %jit3A_161 : f32 to vector<256x16xf32>
    %select_n3A_163 = arith.select %gt3A_160, %add3A_157, %broadcast_in_dim3A_162 : vector<256x16xi1>, vector<256x16xf32>
    %get3A_164 = arith.constant 5 : index
    %get3A_165 = arith.constant 0 : index
    %get3A_166 = arith.constant 0 : index
    %get3A_167 = vector.load %arg11[%get3A_164, %get3A_165, %get3A_166] : memref<20x256x3xf32, #tpu.memory_space<vmem>>, vector<1x256x3xf32>
    %get3A_168 = vector.shape_cast %get3A_167 : vector<1x256x3xf32> to vector<256x3xf32>
    %sub3A_169 = arith.subf %get3A_168, %get3A_56 : vector<256x3xf32>
    %convert_element_type3A_170 = arith.truncf %sub3A_169 : vector<256x3xf32> to vector<256x3xbf16>
    %dot_general3A_171 = arith.constant dense<0.000000e+00> : vector<256x16xf32>
    %dot_general3A_172 = tpu.matmul %convert_element_type3A_170, %convert_element_type3A_51, %dot_general3A_171 {dimension_numbers = #tpu.dot_dimension_numbers<[1], [0], [0], [1], [0, 0, 1, 1], [], []>, transpose_lhs_hint = false} : vector<256x3xbf16>, vector<3x16xbf16>, vector<256x16xf32> -> vector<256x16xf32>
    %get3A_173 = arith.constant 5 : index
    %get3A_174 = arith.constant 0 : index
    %get3A_175 = vector.load %arg8[%get3A_173, %get3A_174] : memref<20x16xf32, #tpu.memory_space<vmem>>, vector<1x16xf32>
    %get3A_176 = vector.shape_cast %get3A_175 : vector<1x16xf32> to vector<16xf32>
    %broadcast_in_dim3A_177 = vector.shape_cast %get3A_176 : vector<16xf32> to vector<1x16xf32>
    %add3A_178 = vector.broadcast %broadcast_in_dim3A_177 : vector<1x16xf32> to vector<256x16xf32>
    %add3A_179 = arith.addf %dot_general3A_172, %add3A_178 : vector<256x16xf32>
    %gt3A_180 = arith.constant 0.000000e+00 : f32
    %gt3A_181 = vector.broadcast %gt3A_180 : f32 to vector<256x16xf32>
    %gt3A_182 = arith.cmpf ogt, %add3A_179, %gt3A_181 : vector<256x16xf32>
    %jit3A_183 = arith.constant 0.000000e+00 : f32
    %broadcast_in_dim3A_184 = vector.broadcast %jit3A_183 : f32 to vector<256x16xf32>
    %select_n3A_185 = arith.select %gt3A_182, %add3A_179, %broadcast_in_dim3A_184 : vector<256x16xi1>, vector<256x16xf32>
    %get3A_186 = arith.constant 6 : index
    %get3A_187 = arith.constant 0 : index
    %get3A_188 = arith.constant 0 : index
    %get3A_189 = vector.load %arg11[%get3A_186, %get3A_187, %get3A_188] : memref<20x256x3xf32, #tpu.memory_space<vmem>>, vector<1x256x3xf32>
    %get3A_190 = vector.shape_cast %get3A_189 : vector<1x256x3xf32> to vector<256x3xf32>
    %sub3A_191 = arith.subf %get3A_190, %get3A_56 : vector<256x3xf32>
    %convert_element_type3A_192 = arith.truncf %sub3A_191 : vector<256x3xf32> to vector<256x3xbf16>
    %dot_general3A_193 = arith.constant dense<0.000000e+00> : vector<256x16xf32>
    %dot_general3A_194 = tpu.matmul %convert_element_type3A_192, %convert_element_type3A_51, %dot_general3A_193 {dimension_numbers = #tpu.dot_dimension_numbers<[1], [0], [0], [1], [0, 0, 1, 1], [], []>, transpose_lhs_hint = false} : vector<256x3xbf16>, vector<3x16xbf16>, vector<256x16xf32> -> vector<256x16xf32>
    %get3A_195 = arith.constant 6 : index
    %get3A_196 = arith.constant 0 : index
    %get3A_197 = vector.load %arg8[%get3A_195, %get3A_196] : memref<20x16xf32, #tpu.memory_space<vmem>>, vector<1x16xf32>
    %get3A_198 = vector.shape_cast %get3A_197 : vector<1x16xf32> to vector<16xf32>
    %broadcast_in_dim3A_199 = vector.shape_cast %get3A_198 : vector<16xf32> to vector<1x16xf32>
    %add3A_200 = vector.broadcast %broadcast_in_dim3A_199 : vector<1x16xf32> to vector<256x16xf32>
    %add3A_201 = arith.addf %dot_general3A_194, %add3A_200 : vector<256x16xf32>
    %gt3A_202 = arith.constant 0.000000e+00 : f32
    %gt3A_203 = vector.broadcast %gt3A_202 : f32 to vector<256x16xf32>
    %gt3A_204 = arith.cmpf ogt, %add3A_201, %gt3A_203 : vector<256x16xf32>
    %jit3A_205 = arith.constant 0.000000e+00 : f32
    %broadcast_in_dim3A_206 = vector.broadcast %jit3A_205 : f32 to vector<256x16xf32>
    %select_n3A_207 = arith.select %gt3A_204, %add3A_201, %broadcast_in_dim3A_206 : vector<256x16xi1>, vector<256x16xf32>
    %get3A_208 = arith.constant 7 : index
    %get3A_209 = arith.constant 0 : index
    %get3A_210 = arith.constant 0 : index
    %get3A_211 = vector.load %arg11[%get3A_208, %get3A_209, %get3A_210] : memref<20x256x3xf32, #tpu.memory_space<vmem>>, vector<1x256x3xf32>
    %get3A_212 = vector.shape_cast %get3A_211 : vector<1x256x3xf32> to vector<256x3xf32>
    %sub3A_213 = arith.subf %get3A_212, %get3A_56 : vector<256x3xf32>
    %convert_element_type3A_214 = arith.truncf %sub3A_213 : vector<256x3xf32> to vector<256x3xbf16>
    %dot_general3A_215 = arith.constant dense<0.000000e+00> : vector<256x16xf32>
    %dot_general3A_216 = tpu.matmul %convert_element_type3A_214, %convert_element_type3A_51, %dot_general3A_215 {dimension_numbers = #tpu.dot_dimension_numbers<[1], [0], [0], [1], [0, 0, 1, 1], [], []>, transpose_lhs_hint = false} : vector<256x3xbf16>, vector<3x16xbf16>, vector<256x16xf32> -> vector<256x16xf32>
    %get3A_217 = arith.constant 7 : index
    %get3A_218 = arith.constant 0 : index
    %get3A_219 = vector.load %arg8[%get3A_217, %get3A_218] : memref<20x16xf32, #tpu.memory_space<vmem>>, vector<1x16xf32>
    %get3A_220 = vector.shape_cast %get3A_219 : vector<1x16xf32> to vector<16xf32>
    %broadcast_in_dim3A_221 = vector.shape_cast %get3A_220 : vector<16xf32> to vector<1x16xf32>
    %add3A_222 = vector.broadcast %broadcast_in_dim3A_221 : vector<1x16xf32> to vector<256x16xf32>
    %add3A_223 = arith.addf %dot_general3A_216, %add3A_222 : vector<256x16xf32>
    %gt3A_224 = arith.constant 0.000000e+00 : f32
    %gt3A_225 = vector.broadcast %gt3A_224 : f32 to vector<256x16xf32>
    %gt3A_226 = arith.cmpf ogt, %add3A_223, %gt3A_225 : vector<256x16xf32>
    %jit3A_227 = arith.constant 0.000000e+00 : f32
    %broadcast_in_dim3A_228 = vector.broadcast %jit3A_227 : f32 to vector<256x16xf32>
    %select_n3A_229 = arith.select %gt3A_226, %add3A_223, %broadcast_in_dim3A_228 : vector<256x16xi1>, vector<256x16xf32>
    %get3A_230 = arith.constant 8 : index
    %get3A_231 = arith.constant 0 : index
    %get3A_232 = arith.constant 0 : index
    %get3A_233 = vector.load %arg11[%get3A_230, %get3A_231, %get3A_232] : memref<20x256x3xf32, #tpu.memory_space<vmem>>, vector<1x256x3xf32>
    %get3A_234 = vector.shape_cast %get3A_233 : vector<1x256x3xf32> to vector<256x3xf32>
    %sub3A_235 = arith.subf %get3A_234, %get3A_56 : vector<256x3xf32>
    %convert_element_type3A_236 = arith.truncf %sub3A_235 : vector<256x3xf32> to vector<256x3xbf16>
    %dot_general3A_237 = arith.constant dense<0.000000e+00> : vector<256x16xf32>
    %dot_general3A_238 = tpu.matmul %convert_element_type3A_236, %convert_element_type3A_51, %dot_general3A_237 {dimension_numbers = #tpu.dot_dimension_numbers<[1], [0], [0], [1], [0, 0, 1, 1], [], []>, transpose_lhs_hint = false} : vector<256x3xbf16>, vector<3x16xbf16>, vector<256x16xf32> -> vector<256x16xf32>
    %get3A_239 = arith.constant 8 : index
    %get3A_240 = arith.constant 0 : index
    %get3A_241 = vector.load %arg8[%get3A_239, %get3A_240] : memref<20x16xf32, #tpu.memory_space<vmem>>, vector<1x16xf32>
    %get3A_242 = vector.shape_cast %get3A_241 : vector<1x16xf32> to vector<16xf32>
    %broadcast_in_dim3A_243 = vector.shape_cast %get3A_242 : vector<16xf32> to vector<1x16xf32>
    %add3A_244 = vector.broadcast %broadcast_in_dim3A_243 : vector<1x16xf32> to vector<256x16xf32>
    %add3A_245 = arith.addf %dot_general3A_238, %add3A_244 : vector<256x16xf32>
    %gt3A_246 = arith.constant 0.000000e+00 : f32
    %gt3A_247 = vector.broadcast %gt3A_246 : f32 to vector<256x16xf32>
    %gt3A_248 = arith.cmpf ogt, %add3A_245, %gt3A_247 : vector<256x16xf32>
    %jit3A_249 = arith.constant 0.000000e+00 : f32
    %broadcast_in_dim3A_250 = vector.broadcast %jit3A_249 : f32 to vector<256x16xf32>
    %select_n3A_251 = arith.select %gt3A_248, %add3A_245, %broadcast_in_dim3A_250 : vector<256x16xi1>, vector<256x16xf32>
    %get3A_252 = arith.constant 9 : index
    %get3A_253 = arith.constant 0 : index
    %get3A_254 = arith.constant 0 : index
    %get3A_255 = vector.load %arg11[%get3A_252, %get3A_253, %get3A_254] : memref<20x256x3xf32, #tpu.memory_space<vmem>>, vector<1x256x3xf32>
    %get3A_256 = vector.shape_cast %get3A_255 : vector<1x256x3xf32> to vector<256x3xf32>
    %sub3A_257 = arith.subf %get3A_256, %get3A_56 : vector<256x3xf32>
    %convert_element_type3A_258 = arith.truncf %sub3A_257 : vector<256x3xf32> to vector<256x3xbf16>
    %dot_general3A_259 = arith.constant dense<0.000000e+00> : vector<256x16xf32>
    %dot_general3A_260 = tpu.matmul %convert_element_type3A_258, %convert_element_type3A_51, %dot_general3A_259 {dimension_numbers = #tpu.dot_dimension_numbers<[1], [0], [0], [1], [0, 0, 1, 1], [], []>, transpose_lhs_hint = false} : vector<256x3xbf16>, vector<3x16xbf16>, vector<256x16xf32> -> vector<256x16xf32>
    %get3A_261 = arith.constant 9 : index
    %get3A_262 = arith.constant 0 : index
    %get3A_263 = vector.load %arg8[%get3A_261, %get3A_262] : memref<20x16xf32, #tpu.memory_space<vmem>>, vector<1x16xf32>
    %get3A_264 = vector.shape_cast %get3A_263 : vector<1x16xf32> to vector<16xf32>
    %broadcast_in_dim3A_265 = vector.shape_cast %get3A_264 : vector<16xf32> to vector<1x16xf32>
    %add3A_266 = vector.broadcast %broadcast_in_dim3A_265 : vector<1x16xf32> to vector<256x16xf32>
    %add3A_267 = arith.addf %dot_general3A_260, %add3A_266 : vector<256x16xf32>
    %gt3A_268 = arith.constant 0.000000e+00 : f32
    %gt3A_269 = vector.broadcast %gt3A_268 : f32 to vector<256x16xf32>
    %gt3A_270 = arith.cmpf ogt, %add3A_267, %gt3A_269 : vector<256x16xf32>
    %jit3A_271 = arith.constant 0.000000e+00 : f32
    %broadcast_in_dim3A_272 = vector.broadcast %jit3A_271 : f32 to vector<256x16xf32>
    %select_n3A_273 = arith.select %gt3A_270, %add3A_267, %broadcast_in_dim3A_272 : vector<256x16xi1>, vector<256x16xf32>
    %get3A_274 = arith.constant 10 : index
    %get3A_275 = arith.constant 0 : index
    %get3A_276 = arith.constant 0 : index
    %get3A_277 = vector.load %arg11[%get3A_274, %get3A_275, %get3A_276] : memref<20x256x3xf32, #tpu.memory_space<vmem>>, vector<1x256x3xf32>
    %get3A_278 = vector.shape_cast %get3A_277 : vector<1x256x3xf32> to vector<256x3xf32>
    %sub3A_279 = arith.subf %get3A_278, %get3A_56 : vector<256x3xf32>
    %convert_element_type3A_280 = arith.truncf %sub3A_279 : vector<256x3xf32> to vector<256x3xbf16>
    %dot_general3A_281 = arith.constant dense<0.000000e+00> : vector<256x16xf32>
    %dot_general3A_282 = tpu.matmul %convert_element_type3A_280, %convert_element_type3A_51, %dot_general3A_281 {dimension_numbers = #tpu.dot_dimension_numbers<[1], [0], [0], [1], [0, 0, 1, 1], [], []>, transpose_lhs_hint = false} : vector<256x3xbf16>, vector<3x16xbf16>, vector<256x16xf32> -> vector<256x16xf32>
    %get3A_283 = arith.constant 10 : index
    %get3A_284 = arith.constant 0 : index
    %get3A_285 = vector.load %arg8[%get3A_283, %get3A_284] : memref<20x16xf32, #tpu.memory_space<vmem>>, vector<1x16xf32>
    %get3A_286 = vector.shape_cast %get3A_285 : vector<1x16xf32> to vector<16xf32>
    %broadcast_in_dim3A_287 = vector.shape_cast %get3A_286 : vector<16xf32> to vector<1x16xf32>
    %add3A_288 = vector.broadcast %broadcast_in_dim3A_287 : vector<1x16xf32> to vector<256x16xf32>
    %add3A_289 = arith.addf %dot_general3A_282, %add3A_288 : vector<256x16xf32>
    %gt3A_290 = arith.constant 0.000000e+00 : f32
    %gt3A_291 = vector.broadcast %gt3A_290 : f32 to vector<256x16xf32>
    %gt3A_292 = arith.cmpf ogt, %add3A_289, %gt3A_291 : vector<256x16xf32>
    %jit3A_293 = arith.constant 0.000000e+00 : f32
    %broadcast_in_dim3A_294 = vector.broadcast %jit3A_293 : f32 to vector<256x16xf32>
    %select_n3A_295 = arith.select %gt3A_292, %add3A_289, %broadcast_in_dim3A_294 : vector<256x16xi1>, vector<256x16xf32>
    %get3A_296 = arith.constant 11 : index
    %get3A_297 = arith.constant 0 : index
    %get3A_298 = arith.constant 0 : index
    %get3A_299 = vector.load %arg11[%get3A_296, %get3A_297, %get3A_298] : memref<20x256x3xf32, #tpu.memory_space<vmem>>, vector<1x256x3xf32>
    %get3A_300 = vector.shape_cast %get3A_299 : vector<1x256x3xf32> to vector<256x3xf32>
    %sub3A_301 = arith.subf %get3A_300, %get3A_56 : vector<256x3xf32>
    %convert_element_type3A_302 = arith.truncf %sub3A_301 : vector<256x3xf32> to vector<256x3xbf16>
    %dot_general3A_303 = arith.constant dense<0.000000e+00> : vector<256x16xf32>
    %dot_general3A_304 = tpu.matmul %convert_element_type3A_302, %convert_element_type3A_51, %dot_general3A_303 {dimension_numbers = #tpu.dot_dimension_numbers<[1], [0], [0], [1], [0, 0, 1, 1], [], []>, transpose_lhs_hint = false} : vector<256x3xbf16>, vector<3x16xbf16>, vector<256x16xf32> -> vector<256x16xf32>
    %get3A_305 = arith.constant 11 : index
    %get3A_306 = arith.constant 0 : index
    %get3A_307 = vector.load %arg8[%get3A_305, %get3A_306] : memref<20x16xf32, #tpu.memory_space<vmem>>, vector<1x16xf32>
    %get3A_308 = vector.shape_cast %get3A_307 : vector<1x16xf32> to vector<16xf32>
    %broadcast_in_dim3A_309 = vector.shape_cast %get3A_308 : vector<16xf32> to vector<1x16xf32>
    %add3A_310 = vector.broadcast %broadcast_in_dim3A_309 : vector<1x16xf32> to vector<256x16xf32>
    %add3A_311 = arith.addf %dot_general3A_304, %add3A_310 : vector<256x16xf32>
    %gt3A_312 = arith.constant 0.000000e+00 : f32
    %gt3A_313 = vector.broadcast %gt3A_312 : f32 to vector<256x16xf32>
    %gt3A_314 = arith.cmpf ogt, %add3A_311, %gt3A_313 : vector<256x16xf32>
    %jit3A_315 = arith.constant 0.000000e+00 : f32
    %broadcast_in_dim3A_316 = vector.broadcast %jit3A_315 : f32 to vector<256x16xf32>
    %select_n3A_317 = arith.select %gt3A_314, %add3A_311, %broadcast_in_dim3A_316 : vector<256x16xi1>, vector<256x16xf32>
    %get3A_318 = arith.constant 12 : index
    %get3A_319 = arith.constant 0 : index
    %get3A_320 = arith.constant 0 : index
    %get3A_321 = vector.load %arg11[%get3A_318, %get3A_319, %get3A_320] : memref<20x256x3xf32, #tpu.memory_space<vmem>>, vector<1x256x3xf32>
    %get3A_322 = vector.shape_cast %get3A_321 : vector<1x256x3xf32> to vector<256x3xf32>
    %sub3A_323 = arith.subf %get3A_322, %get3A_56 : vector<256x3xf32>
    %convert_element_type3A_324 = arith.truncf %sub3A_323 : vector<256x3xf32> to vector<256x3xbf16>
    %dot_general3A_325 = arith.constant dense<0.000000e+00> : vector<256x16xf32>
    %dot_general3A_326 = tpu.matmul %convert_element_type3A_324, %convert_element_type3A_51, %dot_general3A_325 {dimension_numbers = #tpu.dot_dimension_numbers<[1], [0], [0], [1], [0, 0, 1, 1], [], []>, transpose_lhs_hint = false} : vector<256x3xbf16>, vector<3x16xbf16>, vector<256x16xf32> -> vector<256x16xf32>
    %get3A_327 = arith.constant 12 : index
    %get3A_328 = arith.constant 0 : index
    %get3A_329 = vector.load %arg8[%get3A_327, %get3A_328] : memref<20x16xf32, #tpu.memory_space<vmem>>, vector<1x16xf32>
    %get3A_330 = vector.shape_cast %get3A_329 : vector<1x16xf32> to vector<16xf32>
    %broadcast_in_dim3A_331 = vector.shape_cast %get3A_330 : vector<16xf32> to vector<1x16xf32>
    %add3A_332 = vector.broadcast %broadcast_in_dim3A_331 : vector<1x16xf32> to vector<256x16xf32>
    %add3A_333 = arith.addf %dot_general3A_326, %add3A_332 : vector<256x16xf32>
    %gt3A_334 = arith.constant 0.000000e+00 : f32
    %gt3A_335 = vector.broadcast %gt3A_334 : f32 to vector<256x16xf32>
    %gt3A_336 = arith.cmpf ogt, %add3A_333, %gt3A_335 : vector<256x16xf32>
    %jit3A_337 = arith.constant 0.000000e+00 : f32
    %broadcast_in_dim3A_338 = vector.broadcast %jit3A_337 : f32 to vector<256x16xf32>
    %select_n3A_339 = arith.select %gt3A_336, %add3A_333, %broadcast_in_dim3A_338 : vector<256x16xi1>, vector<256x16xf32>
    %get3A_340 = arith.constant 13 : index
    %get3A_341 = arith.constant 0 : index
    %get3A_342 = arith.constant 0 : index
    %get3A_343 = vector.load %arg11[%get3A_340, %get3A_341, %get3A_342] : memref<20x256x3xf32, #tpu.memory_space<vmem>>, vector<1x256x3xf32>
    %get3A_344 = vector.shape_cast %get3A_343 : vector<1x256x3xf32> to vector<256x3xf32>
    %sub3A_345 = arith.subf %get3A_344, %get3A_56 : vector<256x3xf32>
    %convert_element_type3A_346 = arith.truncf %sub3A_345 : vector<256x3xf32> to vector<256x3xbf16>
    %dot_general3A_347 = arith.constant dense<0.000000e+00> : vector<256x16xf32>
    %dot_general3A_348 = tpu.matmul %convert_element_type3A_346, %convert_element_type3A_51, %dot_general3A_347 {dimension_numbers = #tpu.dot_dimension_numbers<[1], [0], [0], [1], [0, 0, 1, 1], [], []>, transpose_lhs_hint = false} : vector<256x3xbf16>, vector<3x16xbf16>, vector<256x16xf32> -> vector<256x16xf32>
    %get3A_349 = arith.constant 13 : index
    %get3A_350 = arith.constant 0 : index
    %get3A_351 = vector.load %arg8[%get3A_349, %get3A_350] : memref<20x16xf32, #tpu.memory_space<vmem>>, vector<1x16xf32>
    %get3A_352 = vector.shape_cast %get3A_351 : vector<1x16xf32> to vector<16xf32>
    %broadcast_in_dim3A_353 = vector.shape_cast %get3A_352 : vector<16xf32> to vector<1x16xf32>
    %add3A_354 = vector.broadcast %broadcast_in_dim3A_353 : vector<1x16xf32> to vector<256x16xf32>
    %add3A_355 = arith.addf %dot_general3A_348, %add3A_354 : vector<256x16xf32>
    %gt3A_356 = arith.constant 0.000000e+00 : f32
    %gt3A_357 = vector.broadcast %gt3A_356 : f32 to vector<256x16xf32>
    %gt3A_358 = arith.cmpf ogt, %add3A_355, %gt3A_357 : vector<256x16xf32>
    %jit3A_359 = arith.constant 0.000000e+00 : f32
    %broadcast_in_dim3A_360 = vector.broadcast %jit3A_359 : f32 to vector<256x16xf32>
    %select_n3A_361 = arith.select %gt3A_358, %add3A_355, %broadcast_in_dim3A_360 : vector<256x16xi1>, vector<256x16xf32>
    %get3A_362 = arith.constant 14 : index
    %get3A_363 = arith.constant 0 : index
    %get3A_364 = arith.constant 0 : index
    %get3A_365 = vector.load %arg11[%get3A_362, %get3A_363, %get3A_364] : memref<20x256x3xf32, #tpu.memory_space<vmem>>, vector<1x256x3xf32>
    %get3A_366 = vector.shape_cast %get3A_365 : vector<1x256x3xf32> to vector<256x3xf32>
    %sub3A_367 = arith.subf %get3A_366, %get3A_56 : vector<256x3xf32>
    %convert_element_type3A_368 = arith.truncf %sub3A_367 : vector<256x3xf32> to vector<256x3xbf16>
    %dot_general3A_369 = arith.constant dense<0.000000e+00> : vector<256x16xf32>
    %dot_general3A_370 = tpu.matmul %convert_element_type3A_368, %convert_element_type3A_51, %dot_general3A_369 {dimension_numbers = #tpu.dot_dimension_numbers<[1], [0], [0], [1], [0, 0, 1, 1], [], []>, transpose_lhs_hint = false} : vector<256x3xbf16>, vector<3x16xbf16>, vector<256x16xf32> -> vector<256x16xf32>
    %get3A_371 = arith.constant 14 : index
    %get3A_372 = arith.constant 0 : index
    %get3A_373 = vector.load %arg8[%get3A_371, %get3A_372] : memref<20x16xf32, #tpu.memory_space<vmem>>, vector<1x16xf32>
    %get3A_374 = vector.shape_cast %get3A_373 : vector<1x16xf32> to vector<16xf32>
    %broadcast_in_dim3A_375 = vector.shape_cast %get3A_374 : vector<16xf32> to vector<1x16xf32>
    %add3A_376 = vector.broadcast %broadcast_in_dim3A_375 : vector<1x16xf32> to vector<256x16xf32>
    %add3A_377 = arith.addf %dot_general3A_370, %add3A_376 : vector<256x16xf32>
    %gt3A_378 = arith.constant 0.000000e+00 : f32
    %gt3A_379 = vector.broadcast %gt3A_378 : f32 to vector<256x16xf32>
    %gt3A_380 = arith.cmpf ogt, %add3A_377, %gt3A_379 : vector<256x16xf32>
    %jit3A_381 = arith.constant 0.000000e+00 : f32
    %broadcast_in_dim3A_382 = vector.broadcast %jit3A_381 : f32 to vector<256x16xf32>
    %select_n3A_383 = arith.select %gt3A_380, %add3A_377, %broadcast_in_dim3A_382 : vector<256x16xi1>, vector<256x16xf32>
    %get3A_384 = arith.constant 15 : index
    %get3A_385 = arith.constant 0 : index
    %get3A_386 = arith.constant 0 : index
    %get3A_387 = vector.load %arg11[%get3A_384, %get3A_385, %get3A_386] : memref<20x256x3xf32, #tpu.memory_space<vmem>>, vector<1x256x3xf32>
    %get3A_388 = vector.shape_cast %get3A_387 : vector<1x256x3xf32> to vector<256x3xf32>
    %sub3A_389 = arith.subf %get3A_388, %get3A_56 : vector<256x3xf32>
    %convert_element_type3A_390 = arith.truncf %sub3A_389 : vector<256x3xf32> to vector<256x3xbf16>
    %dot_general3A_391 = arith.constant dense<0.000000e+00> : vector<256x16xf32>
    %dot_general3A_392 = tpu.matmul %convert_element_type3A_390, %convert_element_type3A_51, %dot_general3A_391 {dimension_numbers = #tpu.dot_dimension_numbers<[1], [0], [0], [1], [0, 0, 1, 1], [], []>, transpose_lhs_hint = false} : vector<256x3xbf16>, vector<3x16xbf16>, vector<256x16xf32> -> vector<256x16xf32>
    %get3A_393 = arith.constant 15 : index
    %get3A_394 = arith.constant 0 : index
    %get3A_395 = vector.load %arg8[%get3A_393, %get3A_394] : memref<20x16xf32, #tpu.memory_space<vmem>>, vector<1x16xf32>
    %get3A_396 = vector.shape_cast %get3A_395 : vector<1x16xf32> to vector<16xf32>
    %broadcast_in_dim3A_397 = vector.shape_cast %get3A_396 : vector<16xf32> to vector<1x16xf32>
    %add3A_398 = vector.broadcast %broadcast_in_dim3A_397 : vector<1x16xf32> to vector<256x16xf32>
    %add3A_399 = arith.addf %dot_general3A_392, %add3A_398 : vector<256x16xf32>
    %gt3A_400 = arith.constant 0.000000e+00 : f32
    %gt3A_401 = vector.broadcast %gt3A_400 : f32 to vector<256x16xf32>
    %gt3A_402 = arith.cmpf ogt, %add3A_399, %gt3A_401 : vector<256x16xf32>
    %jit3A_403 = arith.constant 0.000000e+00 : f32
    %broadcast_in_dim3A_404 = vector.broadcast %jit3A_403 : f32 to vector<256x16xf32>
    %select_n3A_405 = arith.select %gt3A_402, %add3A_399, %broadcast_in_dim3A_404 : vector<256x16xi1>, vector<256x16xf32>
    %get3A_406 = arith.constant 16 : index
    %get3A_407 = arith.constant 0 : index
    %get3A_408 = arith.constant 0 : index
    %get3A_409 = vector.load %arg11[%get3A_406, %get3A_407, %get3A_408] : memref<20x256x3xf32, #tpu.memory_space<vmem>>, vector<1x256x3xf32>
    %get3A_410 = vector.shape_cast %get3A_409 : vector<1x256x3xf32> to vector<256x3xf32>
    %sub3A_411 = arith.subf %get3A_410, %get3A_56 : vector<256x3xf32>
    %convert_element_type3A_412 = arith.truncf %sub3A_411 : vector<256x3xf32> to vector<256x3xbf16>
    %dot_general3A_413 = arith.constant dense<0.000000e+00> : vector<256x16xf32>
    %dot_general3A_414 = tpu.matmul %convert_element_type3A_412, %convert_element_type3A_51, %dot_general3A_413 {dimension_numbers = #tpu.dot_dimension_numbers<[1], [0], [0], [1], [0, 0, 1, 1], [], []>, transpose_lhs_hint = false} : vector<256x3xbf16>, vector<3x16xbf16>, vector<256x16xf32> -> vector<256x16xf32>
    %get3A_415 = arith.constant 16 : index
    %get3A_416 = arith.constant 0 : index
    %get3A_417 = vector.load %arg8[%get3A_415, %get3A_416] : memref<20x16xf32, #tpu.memory_space<vmem>>, vector<1x16xf32>
    %get3A_418 = vector.shape_cast %get3A_417 : vector<1x16xf32> to vector<16xf32>
    %broadcast_in_dim3A_419 = vector.shape_cast %get3A_418 : vector<16xf32> to vector<1x16xf32>
    %add3A_420 = vector.broadcast %broadcast_in_dim3A_419 : vector<1x16xf32> to vector<256x16xf32>
    %add3A_421 = arith.addf %dot_general3A_414, %add3A_420 : vector<256x16xf32>
    %gt3A_422 = arith.constant 0.000000e+00 : f32
    %gt3A_423 = vector.broadcast %gt3A_422 : f32 to vector<256x16xf32>
    %gt3A_424 = arith.cmpf ogt, %add3A_421, %gt3A_423 : vector<256x16xf32>
    %jit3A_425 = arith.constant 0.000000e+00 : f32
    %broadcast_in_dim3A_426 = vector.broadcast %jit3A_425 : f32 to vector<256x16xf32>
    %select_n3A_427 = arith.select %gt3A_424, %add3A_421, %broadcast_in_dim3A_426 : vector<256x16xi1>, vector<256x16xf32>
    %get3A_428 = arith.constant 17 : index
    %get3A_429 = arith.constant 0 : index
    %get3A_430 = arith.constant 0 : index
    %get3A_431 = vector.load %arg11[%get3A_428, %get3A_429, %get3A_430] : memref<20x256x3xf32, #tpu.memory_space<vmem>>, vector<1x256x3xf32>
    %get3A_432 = vector.shape_cast %get3A_431 : vector<1x256x3xf32> to vector<256x3xf32>
    %sub3A_433 = arith.subf %get3A_432, %get3A_56 : vector<256x3xf32>
    %convert_element_type3A_434 = arith.truncf %sub3A_433 : vector<256x3xf32> to vector<256x3xbf16>
    %dot_general3A_435 = arith.constant dense<0.000000e+00> : vector<256x16xf32>
    %dot_general3A_436 = tpu.matmul %convert_element_type3A_434, %convert_element_type3A_51, %dot_general3A_435 {dimension_numbers = #tpu.dot_dimension_numbers<[1], [0], [0], [1], [0, 0, 1, 1], [], []>, transpose_lhs_hint = false} : vector<256x3xbf16>, vector<3x16xbf16>, vector<256x16xf32> -> vector<256x16xf32>
    %get3A_437 = arith.constant 17 : index
    %get3A_438 = arith.constant 0 : index
    %get3A_439 = vector.load %arg8[%get3A_437, %get3A_438] : memref<20x16xf32, #tpu.memory_space<vmem>>, vector<1x16xf32>
    %get3A_440 = vector.shape_cast %get3A_439 : vector<1x16xf32> to vector<16xf32>
    %broadcast_in_dim3A_441 = vector.shape_cast %get3A_440 : vector<16xf32> to vector<1x16xf32>
    %add3A_442 = vector.broadcast %broadcast_in_dim3A_441 : vector<1x16xf32> to vector<256x16xf32>
    %add3A_443 = arith.addf %dot_general3A_436, %add3A_442 : vector<256x16xf32>
    %gt3A_444 = arith.constant 0.000000e+00 : f32
    %gt3A_445 = vector.broadcast %gt3A_444 : f32 to vector<256x16xf32>
    %gt3A_446 = arith.cmpf ogt, %add3A_443, %gt3A_445 : vector<256x16xf32>
    %jit3A_447 = arith.constant 0.000000e+00 : f32
    %broadcast_in_dim3A_448 = vector.broadcast %jit3A_447 : f32 to vector<256x16xf32>
    %select_n3A_449 = arith.select %gt3A_446, %add3A_443, %broadcast_in_dim3A_448 : vector<256x16xi1>, vector<256x16xf32>
    %get3A_450 = arith.constant 18 : index
    %get3A_451 = arith.constant 0 : index
    %get3A_452 = arith.constant 0 : index
    %get3A_453 = vector.load %arg11[%get3A_450, %get3A_451, %get3A_452] : memref<20x256x3xf32, #tpu.memory_space<vmem>>, vector<1x256x3xf32>
    %get3A_454 = vector.shape_cast %get3A_453 : vector<1x256x3xf32> to vector<256x3xf32>
    %sub3A_455 = arith.subf %get3A_454, %get3A_56 : vector<256x3xf32>
    %convert_element_type3A_456 = arith.truncf %sub3A_455 : vector<256x3xf32> to vector<256x3xbf16>
    %dot_general3A_457 = arith.constant dense<0.000000e+00> : vector<256x16xf32>
    %dot_general3A_458 = tpu.matmul %convert_element_type3A_456, %convert_element_type3A_51, %dot_general3A_457 {dimension_numbers = #tpu.dot_dimension_numbers<[1], [0], [0], [1], [0, 0, 1, 1], [], []>, transpose_lhs_hint = false} : vector<256x3xbf16>, vector<3x16xbf16>, vector<256x16xf32> -> vector<256x16xf32>
    %get3A_459 = arith.constant 18 : index
    %get3A_460 = arith.constant 0 : index
    %get3A_461 = vector.load %arg8[%get3A_459, %get3A_460] : memref<20x16xf32, #tpu.memory_space<vmem>>, vector<1x16xf32>
    %get3A_462 = vector.shape_cast %get3A_461 : vector<1x16xf32> to vector<16xf32>
    %broadcast_in_dim3A_463 = vector.shape_cast %get3A_462 : vector<16xf32> to vector<1x16xf32>
    %add3A_464 = vector.broadcast %broadcast_in_dim3A_463 : vector<1x16xf32> to vector<256x16xf32>
    %add3A_465 = arith.addf %dot_general3A_458, %add3A_464 : vector<256x16xf32>
    %gt3A_466 = arith.constant 0.000000e+00 : f32
    %gt3A_467 = vector.broadcast %gt3A_466 : f32 to vector<256x16xf32>
    %gt3A_468 = arith.cmpf ogt, %add3A_465, %gt3A_467 : vector<256x16xf32>
    %jit3A_469 = arith.constant 0.000000e+00 : f32
    %broadcast_in_dim3A_470 = vector.broadcast %jit3A_469 : f32 to vector<256x16xf32>
    %select_n3A_471 = arith.select %gt3A_468, %add3A_465, %broadcast_in_dim3A_470 : vector<256x16xi1>, vector<256x16xf32>
    %get3A_472 = arith.constant 19 : index
    %get3A_473 = arith.constant 0 : index
    %get3A_474 = arith.constant 0 : index
    %get3A_475 = vector.load %arg11[%get3A_472, %get3A_473, %get3A_474] : memref<20x256x3xf32, #tpu.memory_space<vmem>>, vector<1x256x3xf32>
    %get3A_476 = vector.shape_cast %get3A_475 : vector<1x256x3xf32> to vector<256x3xf32>
    %sub3A_477 = arith.subf %get3A_476, %get3A_56 : vector<256x3xf32>
    %convert_element_type3A_478 = arith.truncf %sub3A_477 : vector<256x3xf32> to vector<256x3xbf16>
    %dot_general3A_479 = arith.constant dense<0.000000e+00> : vector<256x16xf32>
    %dot_general3A_480 = tpu.matmul %convert_element_type3A_478, %convert_element_type3A_51, %dot_general3A_479 {dimension_numbers = #tpu.dot_dimension_numbers<[1], [0], [0], [1], [0, 0, 1, 1], [], []>, transpose_lhs_hint = false} : vector<256x3xbf16>, vector<3x16xbf16>, vector<256x16xf32> -> vector<256x16xf32>
    %get3A_481 = arith.constant 19 : index
    %get3A_482 = arith.constant 0 : index
    %get3A_483 = vector.load %arg8[%get3A_481, %get3A_482] : memref<20x16xf32, #tpu.memory_space<vmem>>, vector<1x16xf32>
    %get3A_484 = vector.shape_cast %get3A_483 : vector<1x16xf32> to vector<16xf32>
    %broadcast_in_dim3A_485 = vector.shape_cast %get3A_484 : vector<16xf32> to vector<1x16xf32>
    %add3A_486 = vector.broadcast %broadcast_in_dim3A_485 : vector<1x16xf32> to vector<256x16xf32>
    %add3A_487 = arith.addf %dot_general3A_480, %add3A_486 : vector<256x16xf32>
    %gt3A_488 = arith.constant 0.000000e+00 : f32
    %gt3A_489 = vector.broadcast %gt3A_488 : f32 to vector<256x16xf32>
    %gt3A_490 = arith.cmpf ogt, %add3A_487, %gt3A_489 : vector<256x16xf32>
    %jit3A_491 = arith.constant 0.000000e+00 : f32
    %broadcast_in_dim3A_492 = vector.broadcast %jit3A_491 : f32 to vector<256x16xf32>
    %select_n3A_493 = arith.select %gt3A_490, %add3A_487, %broadcast_in_dim3A_492 : vector<256x16xi1>, vector<256x16xf32>
    %add3A_494 = arith.addf %select_n3A, %select_n3A_97 : vector<256x16xf32>
    %add3A_495 = arith.addf %add3A_494, %select_n3A_119 : vector<256x16xf32>
    %add3A_496 = arith.addf %add3A_495, %select_n3A_141 : vector<256x16xf32>
    %add3A_497 = arith.addf %add3A_496, %select_n3A_163 : vector<256x16xf32>
    %add3A_498 = arith.addf %add3A_497, %select_n3A_185 : vector<256x16xf32>
    %add3A_499 = arith.addf %add3A_498, %select_n3A_207 : vector<256x16xf32>
    %add3A_500 = arith.addf %add3A_499, %select_n3A_229 : vector<256x16xf32>
    %add3A_501 = arith.addf %add3A_500, %select_n3A_251 : vector<256x16xf32>
    %add3A_502 = arith.addf %add3A_501, %select_n3A_273 : vector<256x16xf32>
    %add3A_503 = arith.addf %add3A_502, %select_n3A_295 : vector<256x16xf32>
    %add3A_504 = arith.addf %add3A_503, %select_n3A_317 : vector<256x16xf32>
    %add3A_505 = arith.addf %add3A_504, %select_n3A_339 : vector<256x16xf32>
    %add3A_506 = arith.addf %add3A_505, %select_n3A_361 : vector<256x16xf32>
    %add3A_507 = arith.addf %add3A_506, %select_n3A_383 : vector<256x16xf32>
    %add3A_508 = arith.addf %add3A_507, %select_n3A_405 : vector<256x16xf32>
    %add3A_509 = arith.addf %add3A_508, %select_n3A_427 : vector<256x16xf32>
    %add3A_510 = arith.addf %add3A_509, %select_n3A_449 : vector<256x16xf32>
    %add3A_511 = arith.addf %add3A_510, %select_n3A_471 : vector<256x16xf32>
    %add3A_512 = arith.addf %add3A_511, %select_n3A_493 : vector<256x16xf32>
    %add3A_513 = arith.constant 9.99999997E-7 : f32
    %add3A_514 = vector.broadcast %add3A_513 : f32 to vector<256x16xf32>
    %add3A_515 = arith.addf %add3A_512, %add3A_514 : vector<256x16xf32>
    %div3A = arith.divf %select_n3A, %add3A_515 : vector<256x16xf32>
    %div3A_516 = arith.divf %select_n3A_97, %add3A_515 : vector<256x16xf32>
    %div3A_517 = arith.divf %select_n3A_119, %add3A_515 : vector<256x16xf32>
    %div3A_518 = arith.divf %select_n3A_141, %add3A_515 : vector<256x16xf32>
    %div3A_519 = arith.divf %select_n3A_163, %add3A_515 : vector<256x16xf32>
    %div3A_520 = arith.divf %select_n3A_185, %add3A_515 : vector<256x16xf32>
    %div3A_521 = arith.divf %select_n3A_207, %add3A_515 : vector<256x16xf32>
    %div3A_522 = arith.divf %select_n3A_229, %add3A_515 : vector<256x16xf32>
    %div3A_523 = arith.divf %select_n3A_251, %add3A_515 : vector<256x16xf32>
    %div3A_524 = arith.divf %select_n3A_273, %add3A_515 : vector<256x16xf32>
    %div3A_525 = arith.divf %select_n3A_295, %add3A_515 : vector<256x16xf32>
    %div3A_526 = arith.divf %select_n3A_317, %add3A_515 : vector<256x16xf32>
    %div3A_527 = arith.divf %select_n3A_339, %add3A_515 : vector<256x16xf32>
    %div3A_528 = arith.divf %select_n3A_361, %add3A_515 : vector<256x16xf32>
    %div3A_529 = arith.divf %select_n3A_383, %add3A_515 : vector<256x16xf32>
    %div3A_530 = arith.divf %select_n3A_405, %add3A_515 : vector<256x16xf32>
    %div3A_531 = arith.divf %select_n3A_427, %add3A_515 : vector<256x16xf32>
    %div3A_532 = arith.divf %select_n3A_449, %add3A_515 : vector<256x16xf32>
    %div3A_533 = arith.divf %select_n3A_471, %add3A_515 : vector<256x16xf32>
    %div3A_534 = arith.divf %select_n3A_493, %add3A_515 : vector<256x16xf32>
    %mul3A_535 = arith.mulf %div3A, %div3A : vector<256x16xf32>
    %mul3A_536 = arith.mulf %div3A_516, %div3A_516 : vector<256x16xf32>
    %mul3A_537 = arith.mulf %div3A_517, %div3A_517 : vector<256x16xf32>
    %mul3A_538 = arith.mulf %div3A_518, %div3A_518 : vector<256x16xf32>
    %mul3A_539 = arith.mulf %div3A_519, %div3A_519 : vector<256x16xf32>
    %mul3A_540 = arith.mulf %div3A_520, %div3A_520 : vector<256x16xf32>
    %mul3A_541 = arith.mulf %div3A_521, %div3A_521 : vector<256x16xf32>
    %mul3A_542 = arith.mulf %div3A_522, %div3A_522 : vector<256x16xf32>
    %mul3A_543 = arith.mulf %div3A_523, %div3A_523 : vector<256x16xf32>
    %mul3A_544 = arith.mulf %div3A_524, %div3A_524 : vector<256x16xf32>
    %mul3A_545 = arith.mulf %div3A_525, %div3A_525 : vector<256x16xf32>
    %mul3A_546 = arith.mulf %div3A_526, %div3A_526 : vector<256x16xf32>
    %mul3A_547 = arith.mulf %div3A_527, %div3A_527 : vector<256x16xf32>
    %mul3A_548 = arith.mulf %div3A_528, %div3A_528 : vector<256x16xf32>
    %mul3A_549 = arith.mulf %div3A_529, %div3A_529 : vector<256x16xf32>
    %mul3A_550 = arith.mulf %div3A_530, %div3A_530 : vector<256x16xf32>
    %mul3A_551 = arith.mulf %div3A_531, %div3A_531 : vector<256x16xf32>
    %mul3A_552 = arith.mulf %div3A_532, %div3A_532 : vector<256x16xf32>
    %mul3A_553 = arith.mulf %div3A_533, %div3A_533 : vector<256x16xf32>
    %mul3A_554 = arith.mulf %div3A_534, %div3A_534 : vector<256x16xf32>
    %add3A_555 = arith.addf %mul3A_535, %mul3A_536 : vector<256x16xf32>
    %add3A_556 = arith.addf %add3A_555, %mul3A_537 : vector<256x16xf32>
    %add3A_557 = arith.addf %add3A_556, %mul3A_538 : vector<256x16xf32>
    %add3A_558 = arith.addf %add3A_557, %mul3A_539 : vector<256x16xf32>
    %add3A_559 = arith.addf %add3A_558, %mul3A_540 : vector<256x16xf32>
    %add3A_560 = arith.addf %add3A_559, %mul3A_541 : vector<256x16xf32>
    %add3A_561 = arith.addf %add3A_560, %mul3A_542 : vector<256x16xf32>
    %add3A_562 = arith.addf %add3A_561, %mul3A_543 : vector<256x16xf32>
    %add3A_563 = arith.addf %add3A_562, %mul3A_544 : vector<256x16xf32>
    %add3A_564 = arith.addf %add3A_563, %mul3A_545 : vector<256x16xf32>
    %add3A_565 = arith.addf %add3A_564, %mul3A_546 : vector<256x16xf32>
    %add3A_566 = arith.addf %add3A_565, %mul3A_547 : vector<256x16xf32>
    %add3A_567 = arith.addf %add3A_566, %mul3A_548 : vector<256x16xf32>
    %add3A_568 = arith.addf %add3A_567, %mul3A_549 : vector<256x16xf32>
    %add3A_569 = arith.addf %add3A_568, %mul3A_550 : vector<256x16xf32>
    %add3A_570 = arith.addf %add3A_569, %mul3A_551 : vector<256x16xf32>
    %add3A_571 = arith.addf %add3A_570, %mul3A_552 : vector<256x16xf32>
    %add3A_572 = arith.addf %add3A_571, %mul3A_553 : vector<256x16xf32>
    %add3A_573 = arith.addf %add3A_572, %mul3A_554 : vector<256x16xf32>
    %add3A_574 = arith.constant 9.99999997E-7 : f32
    %add3A_575 = vector.broadcast %add3A_574 : f32 to vector<256x16xf32>
    %add3A_576 = arith.addf %add3A_573, %add3A_575 : vector<256x16xf32>
    %div3A_577 = arith.divf %mul3A_535, %add3A_576 : vector<256x16xf32>
    %gt3A_578 = arith.constant 1.000000e-01 : f32
    %gt3A_579 = vector.broadcast %gt3A_578 : f32 to vector<256x16xf32>
    %gt3A_580 = arith.cmpf ogt, %div3A_577, %gt3A_579 : vector<256x16xf32>
    %jit3A_581 = arith.constant 0.000000e+00 : f32
    %broadcast_in_dim3A_582 = vector.broadcast %jit3A_581 : f32 to vector<256x16xf32>
    %select_n3A_583 = arith.select %gt3A_580, %div3A_577, %broadcast_in_dim3A_582 : vector<256x16xi1>, vector<256x16xf32>
    %swap3A_584 = arith.constant 0 : index
    %swap3A_585 = arith.constant 0 : index
    %swap3A_586 = arith.constant 0 : index
    %swap3A_587 = arith.constant 0 : index
    %swap3A_588 = vector.load %arg10[%swap3A_584, %swap3A_585, %swap3A_586, %swap3A_587] : memref<1x256x20x16xf32, #tpu.memory_space<vmem>>, vector<1x256x1x16xf32>
    %swap3A_589 = vector.shape_cast %swap3A_588 : vector<1x256x1x16xf32> to vector<256x16xf32>
    %swap3A_590 = vector.shape_cast %select_n3A_583 : vector<256x16xf32> to vector<1x256x1x16xf32>
    tpu.vector_store %arg10[%swap3A_584, %swap3A_585, %swap3A_586, %swap3A_587], %swap3A_590 {strides = array<i32>} : memref<1x256x20x16xf32, #tpu.memory_space<vmem>>, vector<1x256x1x16xf32>,
    %div3A_591 = arith.divf %mul3A_536, %add3A_576 : vector<256x16xf32>
    %gt3A_592 = arith.constant 1.000000e-01 : f32
    %gt3A_593 = vector.broadcast %gt3A_592 : f32 to vector<256x16xf32>
    %gt3A_594 = arith.cmpf ogt, %div3A_591, %gt3A_593 : vector<256x16xf32>
    %jit3A_595 = arith.constant 0.000000e+00 : f32
    %broadcast_in_dim3A_596 = vector.broadcast %jit3A_595 : f32 to vector<256x16xf32>
    %select_n3A_597 = arith.select %gt3A_594, %div3A_591, %broadcast_in_dim3A_596 : vector<256x16xi1>, vector<256x16xf32>
    %swap3A_598 = arith.constant 0 : index
    %swap3A_599 = arith.constant 0 : index
    %swap3A_600 = arith.constant 1 : index
    %swap3A_601 = arith.constant 0 : index
    %swap3A_602 = vector.load %arg10[%swap3A_598, %swap3A_599, %swap3A_600, %swap3A_601] : memref<1x256x20x16xf32, #tpu.memory_space<vmem>>, vector<1x256x1x16xf32>
    %swap3A_603 = vector.shape_cast %swap3A_602 : vector<1x256x1x16xf32> to vector<256x16xf32>
    %swap3A_604 = vector.shape_cast %select_n3A_597 : vector<256x16xf32> to vector<1x256x1x16xf32>
    tpu.vector_store %arg10[%swap3A_598, %swap3A_599, %swap3A_600, %swap3A_601], %swap3A_604 {strides = array<i32>} : memref<1x256x20x16xf32, #tpu.memory_space<vmem>>, vector<1x256x1x16xf32>,
    %div3A_605 = arith.divf %mul3A_537, %add3A_576 : vector<256x16xf32>
    %gt3A_606 = arith.constant 1.000000e-01 : f32
    %gt3A_607 = vector.broadcast %gt3A_606 : f32 to vector<256x16xf32>
    %gt3A_608 = arith.cmpf ogt, %div3A_605, %gt3A_607 : vector<256x16xf32>
    %jit3A_609 = arith.constant 0.000000e+00 : f32
    %broadcast_in_dim3A_610 = vector.broadcast %jit3A_609 : f32 to vector<256x16xf32>
    %select_n3A_611 = arith.select %gt3A_608, %div3A_605, %broadcast_in_dim3A_610 : vector<256x16xi1>, vector<256x16xf32>
    %swap3A_612 = arith.constant 0 : index
    %swap3A_613 = arith.constant 0 : index
    %swap3A_614 = arith.constant 2 : index
    %swap3A_615 = arith.constant 0 : index
    %swap3A_616 = vector.load %arg10[%swap3A_612, %swap3A_613, %swap3A_614, %swap3A_615] : memref<1x256x20x16xf32, #tpu.memory_space<vmem>>, vector<1x256x1x16xf32>
    %swap3A_617 = vector.shape_cast %swap3A_616 : vector<1x256x1x16xf32> to vector<256x16xf32>
    %swap3A_618 = vector.shape_cast %select_n3A_611 : vector<256x16xf32> to vector<1x256x1x16xf32>
    tpu.vector_store %arg10[%swap3A_612, %swap3A_613, %swap3A_614, %swap3A_615], %swap3A_618 {strides = array<i32>} : memref<1x256x20x16xf32, #tpu.memory_space<vmem>>, vector<1x256x1x16xf32>,
    %div3A_619 = arith.divf %mul3A_538, %add3A_576 : vector<256x16xf32>
    %gt3A_620 = arith.constant 1.000000e-01 : f32
    %gt3A_621 = vector.broadcast %gt3A_620 : f32 to vector<256x16xf32>
    %gt3A_622 = arith.cmpf ogt, %div3A_619, %gt3A_621 : vector<256x16xf32>
    %jit3A_623 = arith.constant 0.000000e+00 : f32
    %broadcast_in_dim3A_624 = vector.broadcast %jit3A_623 : f32 to vector<256x16xf32>
    %select_n3A_625 = arith.select %gt3A_622, %div3A_619, %broadcast_in_dim3A_624 : vector<256x16xi1>, vector<256x16xf32>
    %swap3A_626 = arith.constant 0 : index
    %swap3A_627 = arith.constant 0 : index
    %swap3A_628 = arith.constant 3 : index
    %swap3A_629 = arith.constant 0 : index
    %swap3A_630 = vector.load %arg10[%swap3A_626, %swap3A_627, %swap3A_628, %swap3A_629] : memref<1x256x20x16xf32, #tpu.memory_space<vmem>>, vector<1x256x1x16xf32>
    %swap3A_631 = vector.shape_cast %swap3A_630 : vector<1x256x1x16xf32> to vector<256x16xf32>
    %swap3A_632 = vector.shape_cast %select_n3A_625 : vector<256x16xf32> to vector<1x256x1x16xf32>
    tpu.vector_store %arg10[%swap3A_626, %swap3A_627, %swap3A_628, %swap3A_629], %swap3A_632 {strides = array<i32>} : memref<1x256x20x16xf32, #tpu.memory_space<vmem>>, vector<1x256x1x16xf32>,
    %div3A_633 = arith.divf %mul3A_539, %add3A_576 : vector<256x16xf32>
    %gt3A_634 = arith.constant 1.000000e-01 : f32
    %gt3A_635 = vector.broadcast %gt3A_634 : f32 to vector<256x16xf32>
    %gt3A_636 = arith.cmpf ogt, %div3A_633, %gt3A_635 : vector<256x16xf32>
    %jit3A_637 = arith.constant 0.000000e+00 : f32
    %broadcast_in_dim3A_638 = vector.broadcast %jit3A_637 : f32 to vector<256x16xf32>
    %select_n3A_639 = arith.select %gt3A_636, %div3A_633, %broadcast_in_dim3A_638 : vector<256x16xi1>, vector<256x16xf32>
    %swap3A_640 = arith.constant 0 : index
    %swap3A_641 = arith.constant 0 : index
    %swap3A_642 = arith.constant 4 : index
    %swap3A_643 = arith.constant 0 : index
    %swap3A_644 = vector.load %arg10[%swap3A_640, %swap3A_641, %swap3A_642, %swap3A_643] : memref<1x256x20x16xf32, #tpu.memory_space<vmem>>, vector<1x256x1x16xf32>
    %swap3A_645 = vector.shape_cast %swap3A_644 : vector<1x256x1x16xf32> to vector<256x16xf32>
    %swap3A_646 = vector.shape_cast %select_n3A_639 : vector<256x16xf32> to vector<1x256x1x16xf32>
    tpu.vector_store %arg10[%swap3A_640, %swap3A_641, %swap3A_642, %swap3A_643], %swap3A_646 {strides = array<i32>} : memref<1x256x20x16xf32, #tpu.memory_space<vmem>>, vector<1x256x1x16xf32>,
    %div3A_647 = arith.divf %mul3A_540, %add3A_576 : vector<256x16xf32>
    %gt3A_648 = arith.constant 1.000000e-01 : f32
    %gt3A_649 = vector.broadcast %gt3A_648 : f32 to vector<256x16xf32>
    %gt3A_650 = arith.cmpf ogt, %div3A_647, %gt3A_649 : vector<256x16xf32>
    %jit3A_651 = arith.constant 0.000000e+00 : f32
    %broadcast_in_dim3A_652 = vector.broadcast %jit3A_651 : f32 to vector<256x16xf32>
    %select_n3A_653 = arith.select %gt3A_650, %div3A_647, %broadcast_in_dim3A_652 : vector<256x16xi1>, vector<256x16xf32>
    %swap3A_654 = arith.constant 0 : index
    %swap3A_655 = arith.constant 0 : index
    %swap3A_656 = arith.constant 5 : index
    %swap3A_657 = arith.constant 0 : index
    %swap3A_658 = vector.load %arg10[%swap3A_654, %swap3A_655, %swap3A_656, %swap3A_657] : memref<1x256x20x16xf32, #tpu.memory_space<vmem>>, vector<1x256x1x16xf32>
    %swap3A_659 = vector.shape_cast %swap3A_658 : vector<1x256x1x16xf32> to vector<256x16xf32>
    %swap3A_660 = vector.shape_cast %select_n3A_653 : vector<256x16xf32> to vector<1x256x1x16xf32>
    tpu.vector_store %arg10[%swap3A_654, %swap3A_655, %swap3A_656, %swap3A_657], %swap3A_660 {strides = array<i32>} : memref<1x256x20x16xf32, #tpu.memory_space<vmem>>, vector<1x256x1x16xf32>,
    %div3A_661 = arith.divf %mul3A_541, %add3A_576 : vector<256x16xf32>
    %gt3A_662 = arith.constant 1.000000e-01 : f32
    %gt3A_663 = vector.broadcast %gt3A_662 : f32 to vector<256x16xf32>
    %gt3A_664 = arith.cmpf ogt, %div3A_661, %gt3A_663 : vector<256x16xf32>
    %jit3A_665 = arith.constant 0.000000e+00 : f32
    %broadcast_in_dim3A_666 = vector.broadcast %jit3A_665 : f32 to vector<256x16xf32>
    %select_n3A_667 = arith.select %gt3A_664, %div3A_661, %broadcast_in_dim3A_666 : vector<256x16xi1>, vector<256x16xf32>
    %swap3A_668 = arith.constant 0 : index
    %swap3A_669 = arith.constant 0 : index
    %swap3A_670 = arith.constant 6 : index
    %swap3A_671 = arith.constant 0 : index
    %swap3A_672 = vector.load %arg10[%swap3A_668, %swap3A_669, %swap3A_670, %swap3A_671] : memref<1x256x20x16xf32, #tpu.memory_space<vmem>>, vector<1x256x1x16xf32>
    %swap3A_673 = vector.shape_cast %swap3A_672 : vector<1x256x1x16xf32> to vector<256x16xf32>
    %swap3A_674 = vector.shape_cast %select_n3A_667 : vector<256x16xf32> to vector<1x256x1x16xf32>
    tpu.vector_store %arg10[%swap3A_668, %swap3A_669, %swap3A_670, %swap3A_671], %swap3A_674 {strides = array<i32>} : memref<1x256x20x16xf32, #tpu.memory_space<vmem>>, vector<1x256x1x16xf32>,
    %div3A_675 = arith.divf %mul3A_542, %add3A_576 : vector<256x16xf32>
    %gt3A_676 = arith.constant 1.000000e-01 : f32
    %gt3A_677 = vector.broadcast %gt3A_676 : f32 to vector<256x16xf32>
    %gt3A_678 = arith.cmpf ogt, %div3A_675, %gt3A_677 : vector<256x16xf32>
    %jit3A_679 = arith.constant 0.000000e+00 : f32
    %broadcast_in_dim3A_680 = vector.broadcast %jit3A_679 : f32 to vector<256x16xf32>
    %select_n3A_681 = arith.select %gt3A_678, %div3A_675, %broadcast_in_dim3A_680 : vector<256x16xi1>, vector<256x16xf32>
    %swap3A_682 = arith.constant 0 : index
    %swap3A_683 = arith.constant 0 : index
    %swap3A_684 = arith.constant 7 : index
    %swap3A_685 = arith.constant 0 : index
    %swap3A_686 = vector.load %arg10[%swap3A_682, %swap3A_683, %swap3A_684, %swap3A_685] : memref<1x256x20x16xf32, #tpu.memory_space<vmem>>, vector<1x256x1x16xf32>
    %swap3A_687 = vector.shape_cast %swap3A_686 : vector<1x256x1x16xf32> to vector<256x16xf32>
    %swap3A_688 = vector.shape_cast %select_n3A_681 : vector<256x16xf32> to vector<1x256x1x16xf32>
    tpu.vector_store %arg10[%swap3A_682, %swap3A_683, %swap3A_684, %swap3A_685], %swap3A_688 {strides = array<i32>} : memref<1x256x20x16xf32, #tpu.memory_space<vmem>>, vector<1x256x1x16xf32>,
    %div3A_689 = arith.divf %mul3A_543, %add3A_576 : vector<256x16xf32>
    %gt3A_690 = arith.constant 1.000000e-01 : f32
    %gt3A_691 = vector.broadcast %gt3A_690 : f32 to vector<256x16xf32>
    %gt3A_692 = arith.cmpf ogt, %div3A_689, %gt3A_691 : vector<256x16xf32>
    %jit3A_693 = arith.constant 0.000000e+00 : f32
    %broadcast_in_dim3A_694 = vector.broadcast %jit3A_693 : f32 to vector<256x16xf32>
    %select_n3A_695 = arith.select %gt3A_692, %div3A_689, %broadcast_in_dim3A_694 : vector<256x16xi1>, vector<256x16xf32>
    %swap3A_696 = arith.constant 0 : index
    %swap3A_697 = arith.constant 0 : index
    %swap3A_698 = arith.constant 8 : index
    %swap3A_699 = arith.constant 0 : index
    %swap3A_700 = vector.load %arg10[%swap3A_696, %swap3A_697, %swap3A_698, %swap3A_699] : memref<1x256x20x16xf32, #tpu.memory_space<vmem>>, vector<1x256x1x16xf32>
    %swap3A_701 = vector.shape_cast %swap3A_700 : vector<1x256x1x16xf32> to vector<256x16xf32>
    %swap3A_702 = vector.shape_cast %select_n3A_695 : vector<256x16xf32> to vector<1x256x1x16xf32>
    tpu.vector_store %arg10[%swap3A_696, %swap3A_697, %swap3A_698, %swap3A_699], %swap3A_702 {strides = array<i32>} : memref<1x256x20x16xf32, #tpu.memory_space<vmem>>, vector<1x256x1x16xf32>,
    %div3A_703 = arith.divf %mul3A_544, %add3A_576 : vector<256x16xf32>
    %gt3A_704 = arith.constant 1.000000e-01 : f32
    %gt3A_705 = vector.broadcast %gt3A_704 : f32 to vector<256x16xf32>
    %gt3A_706 = arith.cmpf ogt, %div3A_703, %gt3A_705 : vector<256x16xf32>
    %jit3A_707 = arith.constant 0.000000e+00 : f32
    %broadcast_in_dim3A_708 = vector.broadcast %jit3A_707 : f32 to vector<256x16xf32>
    %select_n3A_709 = arith.select %gt3A_706, %div3A_703, %broadcast_in_dim3A_708 : vector<256x16xi1>, vector<256x16xf32>
    %swap3A_710 = arith.constant 0 : index
    %swap3A_711 = arith.constant 0 : index
    %swap3A_712 = arith.constant 9 : index
    %swap3A_713 = arith.constant 0 : index
    %swap3A_714 = vector.load %arg10[%swap3A_710, %swap3A_711, %swap3A_712, %swap3A_713] : memref<1x256x20x16xf32, #tpu.memory_space<vmem>>, vector<1x256x1x16xf32>
    %swap3A_715 = vector.shape_cast %swap3A_714 : vector<1x256x1x16xf32> to vector<256x16xf32>
    %swap3A_716 = vector.shape_cast %select_n3A_709 : vector<256x16xf32> to vector<1x256x1x16xf32>
    tpu.vector_store %arg10[%swap3A_710, %swap3A_711, %swap3A_712, %swap3A_713], %swap3A_716 {strides = array<i32>} : memref<1x256x20x16xf32, #tpu.memory_space<vmem>>, vector<1x256x1x16xf32>,
    %div3A_717 = arith.divf %mul3A_545, %add3A_576 : vector<256x16xf32>
    %gt3A_718 = arith.constant 1.000000e-01 : f32
    %gt3A_719 = vector.broadcast %gt3A_718 : f32 to vector<256x16xf32>
    %gt3A_720 = arith.cmpf ogt, %div3A_717, %gt3A_719 : vector<256x16xf32>
    %jit3A_721 = arith.constant 0.000000e+00 : f32
    %broadcast_in_dim3A_722 = vector.broadcast %jit3A_721 : f32 to vector<256x16xf32>
    %select_n3A_723 = arith.select %gt3A_720, %div3A_717, %broadcast_in_dim3A_722 : vector<256x16xi1>, vector<256x16xf32>
    %swap3A_724 = arith.constant 0 : index
    %swap3A_725 = arith.constant 0 : index
    %swap3A_726 = arith.constant 10 : index
    %swap3A_727 = arith.constant 0 : index
    %swap3A_728 = vector.load %arg10[%swap3A_724, %swap3A_725, %swap3A_726, %swap3A_727] : memref<1x256x20x16xf32, #tpu.memory_space<vmem>>, vector<1x256x1x16xf32>
    %swap3A_729 = vector.shape_cast %swap3A_728 : vector<1x256x1x16xf32> to vector<256x16xf32>
    %swap3A_730 = vector.shape_cast %select_n3A_723 : vector<256x16xf32> to vector<1x256x1x16xf32>
    tpu.vector_store %arg10[%swap3A_724, %swap3A_725, %swap3A_726, %swap3A_727], %swap3A_730 {strides = array<i32>} : memref<1x256x20x16xf32, #tpu.memory_space<vmem>>, vector<1x256x1x16xf32>,
    %div3A_731 = arith.divf %mul3A_546, %add3A_576 : vector<256x16xf32>
    %gt3A_732 = arith.constant 1.000000e-01 : f32
    %gt3A_733 = vector.broadcast %gt3A_732 : f32 to vector<256x16xf32>
    %gt3A_734 = arith.cmpf ogt, %div3A_731, %gt3A_733 : vector<256x16xf32>
    %jit3A_735 = arith.constant 0.000000e+00 : f32
    %broadcast_in_dim3A_736 = vector.broadcast %jit3A_735 : f32 to vector<256x16xf32>
    %select_n3A_737 = arith.select %gt3A_734, %div3A_731, %broadcast_in_dim3A_736 : vector<256x16xi1>, vector<256x16xf32>
    %swap3A_738 = arith.constant 0 : index
    %swap3A_739 = arith.constant 0 : index
    %swap3A_740 = arith.constant 11 : index
    %swap3A_741 = arith.constant 0 : index
    %swap3A_742 = vector.load %arg10[%swap3A_738, %swap3A_739, %swap3A_740, %swap3A_741] : memref<1x256x20x16xf32, #tpu.memory_space<vmem>>, vector<1x256x1x16xf32>
    %swap3A_743 = vector.shape_cast %swap3A_742 : vector<1x256x1x16xf32> to vector<256x16xf32>
    %swap3A_744 = vector.shape_cast %select_n3A_737 : vector<256x16xf32> to vector<1x256x1x16xf32>
    tpu.vector_store %arg10[%swap3A_738, %swap3A_739, %swap3A_740, %swap3A_741], %swap3A_744 {strides = array<i32>} : memref<1x256x20x16xf32, #tpu.memory_space<vmem>>, vector<1x256x1x16xf32>,
    %div3A_745 = arith.divf %mul3A_547, %add3A_576 : vector<256x16xf32>
    %gt3A_746 = arith.constant 1.000000e-01 : f32
    %gt3A_747 = vector.broadcast %gt3A_746 : f32 to vector<256x16xf32>
    %gt3A_748 = arith.cmpf ogt, %div3A_745, %gt3A_747 : vector<256x16xf32>
    %jit3A_749 = arith.constant 0.000000e+00 : f32
    %broadcast_in_dim3A_750 = vector.broadcast %jit3A_749 : f32 to vector<256x16xf32>
    %select_n3A_751 = arith.select %gt3A_748, %div3A_745, %broadcast_in_dim3A_750 : vector<256x16xi1>, vector<256x16xf32>
    %swap3A_752 = arith.constant 0 : index
    %swap3A_753 = arith.constant 0 : index
    %swap3A_754 = arith.constant 12 : index
    %swap3A_755 = arith.constant 0 : index
    %swap3A_756 = vector.load %arg10[%swap3A_752, %swap3A_753, %swap3A_754, %swap3A_755] : memref<1x256x20x16xf32, #tpu.memory_space<vmem>>, vector<1x256x1x16xf32>
    %swap3A_757 = vector.shape_cast %swap3A_756 : vector<1x256x1x16xf32> to vector<256x16xf32>
    %swap3A_758 = vector.shape_cast %select_n3A_751 : vector<256x16xf32> to vector<1x256x1x16xf32>
    tpu.vector_store %arg10[%swap3A_752, %swap3A_753, %swap3A_754, %swap3A_755], %swap3A_758 {strides = array<i32>} : memref<1x256x20x16xf32, #tpu.memory_space<vmem>>, vector<1x256x1x16xf32>,
    %div3A_759 = arith.divf %mul3A_548, %add3A_576 : vector<256x16xf32>
    %gt3A_760 = arith.constant 1.000000e-01 : f32
    %gt3A_761 = vector.broadcast %gt3A_760 : f32 to vector<256x16xf32>
    %gt3A_762 = arith.cmpf ogt, %div3A_759, %gt3A_761 : vector<256x16xf32>
    %jit3A_763 = arith.constant 0.000000e+00 : f32
    %broadcast_in_dim3A_764 = vector.broadcast %jit3A_763 : f32 to vector<256x16xf32>
    %select_n3A_765 = arith.select %gt3A_762, %div3A_759, %broadcast_in_dim3A_764 : vector<256x16xi1>, vector<256x16xf32>
    %swap3A_766 = arith.constant 0 : index
    %swap3A_767 = arith.constant 0 : index
    %swap3A_768 = arith.constant 13 : index
    %swap3A_769 = arith.constant 0 : index
    %swap3A_770 = vector.load %arg10[%swap3A_766, %swap3A_767, %swap3A_768, %swap3A_769] : memref<1x256x20x16xf32, #tpu.memory_space<vmem>>, vector<1x256x1x16xf32>
    %swap3A_771 = vector.shape_cast %swap3A_770 : vector<1x256x1x16xf32> to vector<256x16xf32>
    %swap3A_772 = vector.shape_cast %select_n3A_765 : vector<256x16xf32> to vector<1x256x1x16xf32>
    tpu.vector_store %arg10[%swap3A_766, %swap3A_767, %swap3A_768, %swap3A_769], %swap3A_772 {strides = array<i32>} : memref<1x256x20x16xf32, #tpu.memory_space<vmem>>, vector<1x256x1x16xf32>,
    %div3A_773 = arith.divf %mul3A_549, %add3A_576 : vector<256x16xf32>
    %gt3A_774 = arith.constant 1.000000e-01 : f32
    %gt3A_775 = vector.broadcast %gt3A_774 : f32 to vector<256x16xf32>
    %gt3A_776 = arith.cmpf ogt, %div3A_773, %gt3A_775 : vector<256x16xf32>
    %jit3A_777 = arith.constant 0.000000e+00 : f32
    %broadcast_in_dim3A_778 = vector.broadcast %jit3A_777 : f32 to vector<256x16xf32>
    %select_n3A_779 = arith.select %gt3A_776, %div3A_773, %broadcast_in_dim3A_778 : vector<256x16xi1>, vector<256x16xf32>
    %swap3A_780 = arith.constant 0 : index
    %swap3A_781 = arith.constant 0 : index
    %swap3A_782 = arith.constant 14 : index
    %swap3A_783 = arith.constant 0 : index
    %swap3A_784 = vector.load %arg10[%swap3A_780, %swap3A_781, %swap3A_782, %swap3A_783] : memref<1x256x20x16xf32, #tpu.memory_space<vmem>>, vector<1x256x1x16xf32>
    %swap3A_785 = vector.shape_cast %swap3A_784 : vector<1x256x1x16xf32> to vector<256x16xf32>
    %swap3A_786 = vector.shape_cast %select_n3A_779 : vector<256x16xf32> to vector<1x256x1x16xf32>
    tpu.vector_store %arg10[%swap3A_780, %swap3A_781, %swap3A_782, %swap3A_783], %swap3A_786 {strides = array<i32>} : memref<1x256x20x16xf32, #tpu.memory_space<vmem>>, vector<1x256x1x16xf32>,
    %div3A_787 = arith.divf %mul3A_550, %add3A_576 : vector<256x16xf32>
    %gt3A_788 = arith.constant 1.000000e-01 : f32
    %gt3A_789 = vector.broadcast %gt3A_788 : f32 to vector<256x16xf32>
    %gt3A_790 = arith.cmpf ogt, %div3A_787, %gt3A_789 : vector<256x16xf32>
    %jit3A_791 = arith.constant 0.000000e+00 : f32
    %broadcast_in_dim3A_792 = vector.broadcast %jit3A_791 : f32 to vector<256x16xf32>
    %select_n3A_793 = arith.select %gt3A_790, %div3A_787, %broadcast_in_dim3A_792 : vector<256x16xi1>, vector<256x16xf32>
    %swap3A_794 = arith.constant 0 : index
    %swap3A_795 = arith.constant 0 : index
    %swap3A_796 = arith.constant 15 : index
    %swap3A_797 = arith.constant 0 : index
    %swap3A_798 = vector.load %arg10[%swap3A_794, %swap3A_795, %swap3A_796, %swap3A_797] : memref<1x256x20x16xf32, #tpu.memory_space<vmem>>, vector<1x256x1x16xf32>
    %swap3A_799 = vector.shape_cast %swap3A_798 : vector<1x256x1x16xf32> to vector<256x16xf32>
    %swap3A_800 = vector.shape_cast %select_n3A_793 : vector<256x16xf32> to vector<1x256x1x16xf32>
    tpu.vector_store %arg10[%swap3A_794, %swap3A_795, %swap3A_796, %swap3A_797], %swap3A_800 {strides = array<i32>} : memref<1x256x20x16xf32, #tpu.memory_space<vmem>>, vector<1x256x1x16xf32>,
    %div3A_801 = arith.divf %mul3A_551, %add3A_576 : vector<256x16xf32>
    %gt3A_802 = arith.constant 1.000000e-01 : f32
    %gt3A_803 = vector.broadcast %gt3A_802 : f32 to vector<256x16xf32>
    %gt3A_804 = arith.cmpf ogt, %div3A_801, %gt3A_803 : vector<256x16xf32>
    %jit3A_805 = arith.constant 0.000000e+00 : f32
    %broadcast_in_dim3A_806 = vector.broadcast %jit3A_805 : f32 to vector<256x16xf32>
    %select_n3A_807 = arith.select %gt3A_804, %div3A_801, %broadcast_in_dim3A_806 : vector<256x16xi1>, vector<256x16xf32>
    %swap3A_808 = arith.constant 0 : index
    %swap3A_809 = arith.constant 0 : index
    %swap3A_810 = arith.constant 16 : index
    %swap3A_811 = arith.constant 0 : index
    %swap3A_812 = vector.load %arg10[%swap3A_808, %swap3A_809, %swap3A_810, %swap3A_811] : memref<1x256x20x16xf32, #tpu.memory_space<vmem>>, vector<1x256x1x16xf32>
    %swap3A_813 = vector.shape_cast %swap3A_812 : vector<1x256x1x16xf32> to vector<256x16xf32>
    %swap3A_814 = vector.shape_cast %select_n3A_807 : vector<256x16xf32> to vector<1x256x1x16xf32>
    tpu.vector_store %arg10[%swap3A_808, %swap3A_809, %swap3A_810, %swap3A_811], %swap3A_814 {strides = array<i32>} : memref<1x256x20x16xf32, #tpu.memory_space<vmem>>, vector<1x256x1x16xf32>,
    %div3A_815 = arith.divf %mul3A_552, %add3A_576 : vector<256x16xf32>
    %gt3A_816 = arith.constant 1.000000e-01 : f32
    %gt3A_817 = vector.broadcast %gt3A_816 : f32 to vector<256x16xf32>
    %gt3A_818 = arith.cmpf ogt, %div3A_815, %gt3A_817 : vector<256x16xf32>
    %jit3A_819 = arith.constant 0.000000e+00 : f32
    %broadcast_in_dim3A_820 = vector.broadcast %jit3A_819 : f32 to vector<256x16xf32>
    %select_n3A_821 = arith.select %gt3A_818, %div3A_815, %broadcast_in_dim3A_820 : vector<256x16xi1>, vector<256x16xf32>
    %swap3A_822 = arith.constant 0 : index
    %swap3A_823 = arith.constant 0 : index
    %swap3A_824 = arith.constant 17 : index
    %swap3A_825 = arith.constant 0 : index
    %swap3A_826 = vector.load %arg10[%swap3A_822, %swap3A_823, %swap3A_824, %swap3A_825] : memref<1x256x20x16xf32, #tpu.memory_space<vmem>>, vector<1x256x1x16xf32>
    %swap3A_827 = vector.shape_cast %swap3A_826 : vector<1x256x1x16xf32> to vector<256x16xf32>
    %swap3A_828 = vector.shape_cast %select_n3A_821 : vector<256x16xf32> to vector<1x256x1x16xf32>
    tpu.vector_store %arg10[%swap3A_822, %swap3A_823, %swap3A_824, %swap3A_825], %swap3A_828 {strides = array<i32>} : memref<1x256x20x16xf32, #tpu.memory_space<vmem>>, vector<1x256x1x16xf32>,
    %div3A_829 = arith.divf %mul3A_553, %add3A_576 : vector<256x16xf32>
    %gt3A_830 = arith.constant 1.000000e-01 : f32
    %gt3A_831 = vector.broadcast %gt3A_830 : f32 to vector<256x16xf32>
    %gt3A_832 = arith.cmpf ogt, %div3A_829, %gt3A_831 : vector<256x16xf32>
    %jit3A_833 = arith.constant 0.000000e+00 : f32
    %broadcast_in_dim3A_834 = vector.broadcast %jit3A_833 : f32 to vector<256x16xf32>
    %select_n3A_835 = arith.select %gt3A_832, %div3A_829, %broadcast_in_dim3A_834 : vector<256x16xi1>, vector<256x16xf32>
    %swap3A_836 = arith.constant 0 : index
    %swap3A_837 = arith.constant 0 : index
    %swap3A_838 = arith.constant 18 : index
    %swap3A_839 = arith.constant 0 : index
    %swap3A_840 = vector.load %arg10[%swap3A_836, %swap3A_837, %swap3A_838, %swap3A_839] : memref<1x256x20x16xf32, #tpu.memory_space<vmem>>, vector<1x256x1x16xf32>
    %swap3A_841 = vector.shape_cast %swap3A_840 : vector<1x256x1x16xf32> to vector<256x16xf32>
    %swap3A_842 = vector.shape_cast %select_n3A_835 : vector<256x16xf32> to vector<1x256x1x16xf32>
    tpu.vector_store %arg10[%swap3A_836, %swap3A_837, %swap3A_838, %swap3A_839], %swap3A_842 {strides = array<i32>} : memref<1x256x20x16xf32, #tpu.memory_space<vmem>>, vector<1x256x1x16xf32>,
    %div3A_843 = arith.divf %mul3A_554, %add3A_576 : vector<256x16xf32>
    %gt3A_844 = arith.constant 1.000000e-01 : f32
    %gt3A_845 = vector.broadcast %gt3A_844 : f32 to vector<256x16xf32>
    %gt3A_846 = arith.cmpf ogt, %div3A_843, %gt3A_845 : vector<256x16xf32>
    %jit3A_847 = arith.constant 0.000000e+00 : f32
    %broadcast_in_dim3A_848 = vector.broadcast %jit3A_847 : f32 to vector<256x16xf32>
    %select_n3A_849 = arith.select %gt3A_846, %div3A_843, %broadcast_in_dim3A_848 : vector<256x16xi1>, vector<256x16xf32>
    %swap3A_850 = arith.constant 0 : index
    %swap3A_851 = arith.constant 0 : index
    %swap3A_852 = arith.constant 19 : index
    %swap3A_853 = arith.constant 0 : index
    %swap3A_854 = vector.load %arg10[%swap3A_850, %swap3A_851, %swap3A_852, %swap3A_853] : memref<1x256x20x16xf32, #tpu.memory_space<vmem>>, vector<1x256x1x16xf32>
    %swap3A_855 = vector.shape_cast %swap3A_854 : vector<1x256x1x16xf32> to vector<256x16xf32>
    %swap3A_856 = vector.shape_cast %select_n3A_849 : vector<256x16xf32> to vector<1x256x1x16xf32>
    tpu.vector_store %arg10[%swap3A_850, %swap3A_851, %swap3A_852, %swap3A_853], %swap3A_856 {strides = array<i32>} : memref<1x256x20x16xf32, #tpu.memory_space<vmem>>, vector<1x256x1x16xf32>,
    return
  }
  func.func @transform_0(%arg0: i32, %arg1: i32) -> (i32, i32, i32) {
    %c0_i32 = arith.constant 0 : i32
    %c0_i32_0 = arith.constant 0 : i32
    return %arg0, %arg1, %c0_i32 : i32, i32, i32
  }
  func.func @transform_1(%arg0: i32, %arg1: i32) -> (i32, i32, i32) {
    %c0_i32 = arith.constant 0 : i32
    %c0_i32_0 = arith.constant 0 : i32
    %c0_i32_1 = arith.constant 0 : i32
    return %arg0, %c0_i32, %c0_i32_0 : i32, i32, i32
  }
  func.func @transform_2(%arg0: i32, %arg1: i32) -> (i32, i32, i32) {
    %c0_i32 = arith.constant 0 : i32
    %c0_i32_0 = arith.constant 0 : i32
    %c0_i32_1 = arith.constant 0 : i32
    return %arg0, %c0_i32, %c0_i32_0 : i32, i32, i32
  }
  func.func @transform_3(%arg0: i32, %arg1: i32) -> (i32, i32, i32) {
    %c0_i32 = arith.constant 0 : i32
    %c0_i32_0 = arith.constant 0 : i32
    return %arg0, %arg1, %c0_i32 : i32, i32, i32
  }
  func.func @transform_4(%arg0: i32, %arg1: i32) -> (i32, i32, i32) {
    %c0_i32 = arith.constant 0 : i32
    %c0_i32_0 = arith.constant 0 : i32
    %c0_i32_1 = arith.constant 0 : i32
    return %arg0, %c0_i32, %c0_i32_0 : i32, i32, i32
  }
  func.func @transform_5(%arg0: i32, %arg1: i32) -> (i32, i32) {
    %c0_i32 = arith.constant 0 : i32
    %c0_i32_0 = arith.constant 0 : i32
    %c0_i32_1 = arith.constant 0 : i32
    return %c0_i32, %c0_i32_0 : i32, i32
  }
  func.func @transform_6(%arg0: i32, %arg1: i32) -> (i32, i32) {
    %c0_i32 = arith.constant 0 : i32
    %c0_i32_0 = arith.constant 0 : i32
    %c0_i32_1 = arith.constant 0 : i32
    return %c0_i32, %c0_i32_0 : i32, i32
  }
  func.func @transform_7(%arg0: i32, %arg1: i32) -> (i32, i32, i32) {
    %c0_i32 = arith.constant 0 : i32
    %c0_i32_0 = arith.constant 0 : i32
    return %arg0, %arg1, %c0_i32 : i32, i32, i32
  }
  func.func @transform_8(%arg0: i32, %arg1: i32) -> (i32, i32, i32, i32) {
    %c0_i32 = arith.constant 0 : i32
    %c0_i32_0 = arith.constant 0 : i32
    %c0_i32_1 = arith.constant 0 : i32
    return %arg0, %arg1, %c0_i32, %c0_i32_0 : i32, i32, i32, i32
  }
}

</mosaic_0001>

<sc_bundles>
// kernel: sparse-core-data-format-call.cloned.1.call-start
scs
called_computation_lowered:
.L_overlay_start_0:
0x0: {  	s2 =	sld [smem:$0x3FD9]  }
0x1: {  	s3 =	sld [smem:$0x3FFE];
	_ =	sdelay $0x1  }
0x2: {  	s1 =	srdreg.scid  }
0x3: {  	s0 =	sand.u32 $0x1, s1  }
0x4: {  	s15 =	sshll.u32 s0, $0xA;
	s2 =	sadd.s32 s3, s2  }
0x5: {  	s2 =	sadd.s32 s2, s15  }
0x6: {  	[smem:$0x3FC5] =	sst s2  }
0x7: {  	_ = 	snop  }
0x8: {  	s2 =	sld [smem:$0x3FD0];
	_ =	sdelay $0x2  }
0x9: {  	s16 =	simm.s32 $0xA;
	s4 =	simm.s32 $0x10  }
0xa: {  	[smem:s4], [sflag:s16] =	dma.local [hbm:s2], $0x1  }
0xb: {  	_ =	swait.eq [sflag:s16], $0x1  }
0xc: {  	[sflag:s16] =	ssyncset.done $0x0  }
0xd: {  	[sflag:s16] =	ssyncadd.s32 $0xFFFFFFFF  }
0xe: {  	s17 =	sld [smem:$0x11];
	(tm) =	ssettm $0x1  }
0xf: {  	s18 =	sld [smem:$0x3FFB];
	_ =	sdelay $0x3  }
0x10: {  	_ =	strace s18  }
0x11: {  	s3 =	sld [smem:$0x3FFC];
	_ =	sdelay $0x3  }
0x12: {  	_ =	strace s3  }
0x13: {  	s3 =	sld [smem:$0x3FFD];
	_ =	sdelay $0x3  }
0x14: {  	_ =	strace s3  }
0x15: {  	_ =	strace $0x8FFFFFFF  }
0x16: {  	s19 =	sld [smem:$0x3FDB];
	_ =	sdelay $0x1  }
0x17: {  	s20 =	simm.s32 $_scs_section_size  }
0x18: {  	s5 =	simm.s32 $_size__tile_overlayer_lowered;
	s6 =	simm.s32 $_tile_overlayer_lowered  }
0x19: {  	s23 =	simm.s32 $0x1BFF;
	s22 =	sshll.u32 s6, $0x1;
	s3 =	sadd.s32 s20, s19  }
0x1a: {  	s7 =	simm.s32 $0x0;
	s21 =	sshll.u32 s5, $0x1;
	s5 =	sadd.s32 s22, s3  }
0x1b: {  	[timem:s7], [sflag:s23] =	dma.local [hbm:s5], s21  }
0x1c: {  	_ =	swait.ge [sflag:s23], s21  }
0x1d: {  	s4 =	ssub.s32 $0x0, s21;
	[sflag:s23] =	ssyncset.done $0x0  }
0x1e: {  	[sflag:s23] =	ssyncadd.s32 s4;
	_ =	sdelay $0x1  }
0x1f: {  	s24 =	simm.s32 $0x1B8B  }
0x20: {  	_ =	swait.ge [sflag:s24], $0x1  }
0x21: {  	[sflag:s24] =	ssyncset.done $0x0  }
0x22: {  	s26 =	simm.s32 $0x1B8E;
	s25 =	sld [smem:$0x3FFE];
	[sflag:s24] =	ssyncadd.s32 $0xFFFFFFFF  }
0x23: {  	s27 =	simm.s32 $execute0_lowered;
	[smem:$0x3FD2] =	sst s26  }
0x24: {  	s5 =	sshll.u32 s27, $0x1;
	_ =	strace $0x80000046;
	[dreg:$0x1] =	wrdreg $0xFFFFFFFF  }
0x25: {  	s28 =	simm.s32 $_size_execute0_lowered;
	s3 =	sadd.s32 s3, s5;
	[dreg:$0x0] =	wrdreg $0x0  }
0x26: {  	s5 =	sshll.u32 s28, $0x1;
	[dreg:$0x2] =	wrdreg s3  }
0x27: {  	[dreg:$0x3] =	wrdreg s5  }
0x28: {  	[dreg:$0x4] =	wrdreg $0xC0  }
0x29: {  	_ =	task [dreg:s7], $0x5FFFF  }
0x2a: {  	[dreg:$0x1] =	wrdreg $0xFFFFFFFF  }
0x2b: {  	[dreg:$0x0] =	wrdreg $0x60  }
0x2c: {  	[dreg:$0x2] =	wrdreg s25  }
0x2d: {  	[dreg:$0x3] =	wrdreg s17  }
0x2e: {  	[dreg:$0x4] =	wrdreg $0x9  }
0x2f: {  	_ =	task.clear_ibuf [dreg:s7], $0x5FFFF;
	_ =	strace $0x90000046  }
0x30: {  	s29 =	simm.s32 $0x9;
	_ =	strace $0x80000048  }
0x31: {  	_ =	swait.ge [sflag:s29], $0x1  }
0x32: {  	[sflag:s29] =	ssyncadd.s32 $0xFFFFFFFF  }
0x33: {  	_ =	strace $0x90000048  }
0x34: {  	_ =	sfence  }
0x35: {  	s30 =	sld [smem:$0x0];
	_ =	sdelay $0x2  }
0x36: {  	s31 =	sshll.u32 s1, $0xD;
	s1 =	sshrl.u32 s1, $0x2  }
0x37: {  	s3 =	sand.u32 $0x4000, s31;
	s1 =	sadd.s32 s1, s30  }
0x38: {  	s0 =	sor.u32 s3, s0;
	s1 =	sshll.u32 s1, $0x11  }
0x39: {  	s0 =	sor.u32 s1, s0  }
0x3a: {  	s0 =	sadd.s32 $0x8F2B, s0  }
0x3b: {  	[sflag:s0] =	ssyncadd.remote.s32 $0x1  }
0x3c: {  	_ =	sfence.sel $0xFFFF  }
0x3d: {  	[dreg:$0x0] =	wrdreg $0xFFFFFFFF;
	(pc) =	sbr.abs _section_cstart, $3  }
0x3e: {  	[dreg:$0x1] =	wrdreg $0xFFFFFFFF  }
0x3f: {  	_ =	task.clear_ibuf [dreg:s7], $0x2FFFF;
	_ =	strace $0x9FFFFFFF  }
0x40: {  	(tm) =	ssettm $0x7FFFFFFF  }
0x41: {  	_ =	shalt  }
tec
execute0_lowered:
.L_overlay_start_1:
0x0: {  	(tag) =	ssettag $0x1  }
0x1: {  	s0 =	srdreg.scid  }
0x2: {  	s1 =	sshll.u32 s0, $0x4  }
0x3: {  	s0 =	stileid.u32;
	s1 =	sand.u32 $0x10, s1  }
0x4: {  	s1 =	sor.u32 s0, s1  }
0x5: {  	s6 =	rddreg [dreg:$0x0];
	s4 =	simm.s32 $0x1;
	s2 =	sshll.u32 s1, $0x7  }
0x6: {  	s7 =	simm.s32 $0x2;
	s12 =	simm.s32 $0x0;
	s1 =	ssub.s32 $0x8000, s2  }
0x7: {  	s8 =	simm.s32 $0x40000;
	s13 =	simm.s32 $0x0;
	s3 =	sand.u32 $0xF80, s1  }
0x8: {  	s9 =	simm.s32 $0x0;
	s5 =	sshrl.u32 s1, $0xC;
	p0 =	sne.s32 s3, $0x0  }
.Ltmp0:
0x9: {  	s1 =	rddreg [dreg:$0x2];
	s4 =	simm.s32 @!p0 $0x0;
	(pc) =	sbr.rel .LBB1_1-.Ltmp0, $4  }
0xa: {  	s11 =	simm.s32 $0x0;
	s3 =	rddreg [dreg:$0x1];
	s5 =	sadd.s32 s4, s5  }
0xb: {  	_ =	strace $0x80000047;
	s4 =	simm.s32 $0x1;
	s5 =	smul.u32 $0x14, s5  }
0xc: {  	s6 =	sadd.s32 $0x101000, s6;
	s10 =	smov.u32 s2;
	[sflag:s4] =	ssyncpa.u1 $0x0  }
0xd: {  	p0 =	por $0x0, $0x0;
	[sflag:s7] =	ssyncpa.u1 $0x0;
	s7 =	sor.u32 $0x1, s5  }
.LBB1_4:
0xe: {  	s16 =	sshll.u32 s13, $0x3;
	s17 =	sand.u32 $0x78, s13  }
0xf: {  	s30 =	sand.u32 $0xF000, s13;
	s12 =	sshll.u32 s12, $0x10;
	s16 =	sand.u32 $0x7C00, s16  }
0x10: {  	s31 =	sand.u32 $0x7, s13;
	s16 =	sor.u32 s17, s16;
	s17 =	sadd.s32 s3, s30  }
0x11: {  	s13 =	sshll.u32 s31, $0x12;
	s16 =	sshrl.u32 s16, $0x3;
	s12 =	sadd.s32 s12, s17  }
0x12: {  	[tilespmem:s15+$0x0 ss:$0x81] =	vst.msk $0xffff, v1;
	s13 =	sor.u32 $0x400, s13;
	s12 =	sadd.s32 s16, s12  }
0x13: {  	[hbm4b:s12+s13] =	stream.strided.scatter [tilespmem:s14], [sflag:$0x2], $0x800, s8, s13, $0x20;
	[tilespmem:$0x2020] =	vst v63  }
.LBB1_5:
0x14: {  	s14 =	sadd.s32 $0x1, s9  }
0x15: {  	s12 =	sadd.s32 $0x1000, s10;
	s16 =	smov.u32 s10;
	p2 =	sgt.s32 s14, $0x13  }
0x16: {  	s16 =	smov.u32 @p2 s12  }
0x17: {  	s14 =	simm.s32 @p2 $0x0;
	p2 =	sgt.s32 s16, $0x7FFF  }
0x18: {  	s16 =	smov.u32 @p2 s2;
	p2 =	sne.s32 s11, s7  }
.Ltmp1:
0x19: {  	p1 =	slt.u32 s11, $0x2;
	(pc) =	sbr.rel @!p2 .LBB1_6-.Ltmp1, $4  }
0x1a: {  	s15 =	simm.s32 @!p1 $0x2  }
0x1b: {  	s13 =	smov.u32 s10;
	p0 =	por !p0, !p0;
	_ =	swait.ge @!p1 [sflag:s15], $0x800  }
0x1c: {  	s12 =	smov.u32 s9;
	[sflag:s15] =	ssyncset.done @!p1 $0x0;
	s9 =	smov.u32 s14  }
0x1d: {  	s11 =	sadd.s32 $0x1, s11;
	[sflag:s15] =	ssyncadd.s32 @!p1 $0xFFFFF800;
	s10 =	smov.u32 s16  }
.LBB1_1:
0x1e: {  	p1 =	sge.u32 s11, s5  }
0x1f: {  	s14 =	sand.u32 @!p1 $0x1FFFFFF, s9  }
0x20: {  	s15 =	smulhi.u32 @!p1 $0xAAAAAAB, s14;
	_ =	sdelay $0x1  }
0x21: {  	s15 =	smul.u32 @!p1 $0x18, s15  }
0x22: {  	s16 =	sxor.u32 @!p1 $0xFFFFFFFF, s11;
	s17 =	smul.u32 @!p1 $0x180, s10  }
0x23: {  	s31 =	sadd.s32 $0xFFFFFFFF, s11;
	s16 =	sshll.u32 @!p1 s16, $0xB;
	s14 =	ssub.s32 @!p1 s14, s15  }
0x24: {  	s15 =	sand.u32 @!p1 $0x800, s16;
	s16 =	sadd.s32 @!p1 s6, s17;
	s14 =	sshll.u32 @!p1 s14, $0x4  }
0x25: {  	s17 =	simm.s32 @!p1 $0xC00;
	s14 =	sadd.s32 @!p1 s14, s16;
	s16 =	simm.s32 @!p1 $0x10  }
0x26: {  	[tilespmem:s15], [sflag:$0x1] =	stream.strided.gather @!p1 [hbm4b:s14+s16], $0x800, s17, s16, $0x38;
	[tilespmem:$0x2020] =	vst v63  }
0x27: {  	p1 =	sge.u32 s31, s5  }
.Ltmp2:
0x28: {  	_ = 	snop;
	(pc) =	sbr.rel @p1 .LBB1_5-.Ltmp2, $1  }
0x29: {  	_ =	sdelay $0x3  }
0x2a: {  	s14 =	simm.s32 $0x1  }
0x2b: {  	s14 =	simm.s32 @!p0 $0x0  }
0x2c: {  	s15 =	sshll.u32 s14, $0xB  }
0x2d: {  	v0 =	vmov s15;
	_ =	sdelay $0x1  }
0x2e: {  	_ =	swait.ge [sflag:s4], $0x800  }
0x2f: {  	s31 =	sand.u32 $0x1, s11;
	[sflag:s4] =	ssyncset.done $0x0  }
0x30: {  	s17 =	simm.s32 $0x0;
	s14 =	smul.u32 $0x2040, s14;
	[sflag:s4] =	ssyncadd.s32 $0xFFFFF800  }
0x31: {  	s15 =	smul.u32 $0x2040, s31;
	v1 =	vld.idx.msk [tilespmem:v0+s17+$0x0 ss:$0x1], $0xffff;
	_ =	sdelay $0x1  }
0x32: {  	s14 =	sshrl.u32 s14, $0x2;
	s16 =	sshrl.u32 s15, $0x2  }
0x33: {  	s15 =	sor.u32 $0x1000, s14;
	s14 =	sor.u32 $0x1000, s16;
	s16 =	simm.s32 $0x40  }
.LBB1_3:
0x34: {  	s17 =	sshra.s32 s16, $0x2;
	p1 =	sne.s32 s16, $0x1FC0;
	s16 =	sadd.s32 $0x40, s16  }
.Ltmp3:
0x35: {  	[tilespmem:s15+$0x0 ss:$0x81] =	vst.msk $0xffff, v1;
	v1 =	vld.idx.msk [tilespmem:v0+s17+$0x0 ss:$0x1], $0xffff;
	(pc) =	sbr.rel @p1 .LBB1_3-.Ltmp3, $2  }
0x36: {  	_ =	sdelay $0x2  }
0x37: {  	s15 =	sadd.s32 $0x1, s15  }
.Ltmp4:
0x38: {  	_ = 	snop;
	(pc) =	sbr.rel .LBB1_4-.Ltmp4, $1  }
0x39: {  	_ =	sdelay $0x3  }
.LBB1_6:
0x3a: {  	_ =	sfence.sel $0x180000  }
0x3b: {  	s2 =	simm.s32 $0x1;
	[bflag:$0x0] =	sbarrier.arrive $0xFFFF  }
0x3c: {  	s31 =	simm.s32 $0x2;
	[sflag:s2] =	ssyncpa.u1 $0x1  }
0x3d: {  	[sflag:s31] =	ssyncpa.u1 $0x1  }
0x3e: {  	p0 =	sne.s32 s0, $0x0;
	_ =	strace $0x90000047  }
0x3f: {  	s0 =	sadd.s32 @!p0 $0x100000, s1;
	[bflag:$0x2] =	sbarrier.arrive $0xFFFF  }
0x40: {  	[sflag:s0] =	ssyncadd.tile.s32 @!p0 $0x1;
	_ =	shalt  }
.Lfunc_end1:
_tile_overlayer_lowered:
.L_overlay_start_2:
0x41: {  	(tag) =	ssettag $0x2  }
0x42: {  	s0 =	rddreg [dreg:$0x0];
	s2 =	stileid.u32  }
0x43: {  	s1 =	rddreg [dreg:$0x1];
	p0 =	sne.s32 s2, $0x0  }
0x44: {  	s3 =	rddreg [dreg:$0x2];
	[bflag:$0x3] =	sbarrier.arrive $0xFFFF;
	s2 =	simm.s32 @!p0 $0x1C01  }
0x45: {  	[timem:s3], [sflag:s2] =	dma.local @!p0 [hbm:s0], s1  }
0x46: {  	s0 =	simm.s32 @!p0 $0x1  }
0x47: {  	_ =	swait.ge @!p0 [sflag:s0], s1  }
0x48: {  	s1 =	ssub.s32 @!p0 $0x0, s1;
	[sflag:s0] =	ssyncset.done @!p0 $0x0  }
0x49: {  	[sflag:s0] =	ssyncadd.s32 @!p0 s1  }
0x4a: {  	[bflag:$0x3] =	sbarrier.arrive $0xFFFF  }
0x4b: {  	_ =	shalt  }

</sc_bundles>
